<compile_context>
chip_gen: v7x
topology: tpu7x:2x2x1
jax: 0.10.2.dev20260603
libtpu: 0.0.44.dev20260713+nightly
codegen_flags: <defaults>
</compile_context>

<pallas_src>
import functools

import jax
import jax.numpy as jnp
from jax import lax
from jax.experimental import pallas as pl
from jax.experimental.pallas import tpu as pltpu
from jax.experimental.pallas import tpu_sc as plsc

_NC = 2
_NS = 16
_NW = _NC * _NS

_B = 1024 * 200
_D = 768
_BPW = _B // _NW
_CHUNK = 32
_NCHUNK = _BPW // _CHUNK
_NBUF = 4

_mesh = plsc.VectorSubcoreMesh(core_axis_name="c", subcore_axis_name="s")


@functools.partial(
    pl.kernel,
    out_type=jax.ShapeDtypeStruct((_B, _D), jnp.float32),
    mesh=_mesh,
    scratch_types=[
        pltpu.VMEM((_NCHUNK, _CHUNK), jnp.int32),
        pltpu.VMEM((_NBUF, _CHUNK, _D), jnp.float32),
        [pltpu.SemaphoreType.DMA] * _NBUF,
        [pltpu.SemaphoreType.DMA] * _NBUF,
    ],
)
def _gather_rows(table_hbm, idx_hbm, out_hbm, idx_v, rows_v, gsem, ssem):
    wid = lax.axis_index("s") * _NC + lax.axis_index("c")
    base = wid * _BPW
    pltpu.sync_copy(idx_hbm.at[wid], idx_v)

    def gather(c, b):
        return pltpu.make_async_copy(
            table_hbm.at[idx_v.at[c]], rows_v.at[b], gsem[b]
        )

    def store(c, b):
        return pltpu.make_async_copy(
            rows_v.at[b], out_hbm.at[pl.ds(base + c * _CHUNK, _CHUNK)], ssem[b]
        )

    gather(0, 0).start()
    gather(1, 1).start()

    @pl.loop(0, _NCHUNK, step=_NBUF)
    def _round(j):
        for b in range(_NBUF):
            c = j + b
            gather(c, b).wait()
            store(c, b).start()

            @pl.when(c >= 2)
            def _():
                store(c - 2, (b - 2) % _NBUF).wait()

            @pl.when(c + 2 < _NCHUNK)
            def _():
                gather(c + 2, (b + 2) % _NBUF).start()

    store(_NCHUNK - 2, (_NCHUNK - 2) % _NBUF).wait()
    store(_NCHUNK - 1, (_NCHUNK - 1) % _NBUF).wait()


def kernel(x, table):
    idx = x.reshape(_NW, _NCHUNK, _CHUNK)
    out = _gather_rows(table, idx)
    return out.reshape(x.shape[0], x.shape[1], _D)

# --- scband reference (transcript-rebuilt; emitter-appended) ---
"""Pipeline reference for scband-word-embedding-53094385713512 (READ-ONLY COPY).

The authoritative reference and input builder live on the scoring server;
editing this copy changes nothing except your own understanding.
"""

import jax, jax.numpy as jnp
import numpy as np

VOCAB = 30522
DIM = 768

def setup_inputs(seed: int = 0) -> dict:
    key = jax.random.key(seed)
    k1, k2 = jax.random.split(key)
    x = jax.random.randint(k1, (1024, 200), 0, VOCAB, dtype=jnp.int64) if jax.config.jax_enable_x64 else jax.random.randint(k1, (1024, 200), 0, VOCAB, dtype=jnp.int32)
    table = jax.random.normal(k2, (VOCAB, DIM), dtype=jnp.float32)
    return {"x": x, "table": table}

def reference(x, table):
    # nn.Embedding forward: row gather from the embedding table
    return jnp.take(table, x, axis=0)

if __name__ == "__main__":
    import jax
    _d = setup_inputs()
    print(jax.jit(kernel)(*tuple(_d.values())))

</pallas_src>

<mosaic_0001>
#map = affine_map<(d0, d1) -> (0, 0)>
#map1 = affine_map<(d0, d1) -> (0, 0, 0)>
module attributes {stable_mosaic.version = 14 : i64} {
  func.func @_gather_rows(%arg0: i32, %arg1: i32, %arg2: memref<30522x768xf32, #tpu.memory_space<hbm>>, %arg3: memref<32x200x32xi32, #tpu.memory_space<hbm>>, %arg4: memref<204800x768xf32, #tpu.memory_space<hbm>>, %arg5: memref<200x32xi32, #tpu.memory_space<vmem>>, %arg6: memref<4x32x768xf32, #tpu.memory_space<vmem>>, %arg7: memref<!tpu.dma_semaphore, #tpu.memory_space<semaphore_mem>>, %arg8: memref<!tpu.dma_semaphore, #tpu.memory_space<semaphore_mem>>, %arg9: memref<!tpu.dma_semaphore, #tpu.memory_space<semaphore_mem>>, %arg10: memref<!tpu.dma_semaphore, #tpu.memory_space<semaphore_mem>>, %arg11: memref<!tpu.dma_semaphore, #tpu.memory_space<semaphore_mem>>, %arg12: memref<!tpu.dma_semaphore, #tpu.memory_space<semaphore_mem>>, %arg13: memref<!tpu.dma_semaphore, #tpu.memory_space<semaphore_mem>>, %arg14: memref<!tpu.dma_semaphore, #tpu.memory_space<semaphore_mem>>) attributes {dimension_semantics = [#tpu.dimension_semantics<core_parallel>, #tpu.dimension_semantics<subcore_parallel>], iteration_bounds = array<i64: 2, 16>, scalar_prefetch = 0 : i64, scratch_operands = 10 : i64, tpu.core_type = #tpu.core_type<sc_vector_subcore>, window_params = [{transform_indices = #map}, {transform_indices = #map1}, {transform_indices = #map}]} {
    %mul3A = arith.constant 2 : i32
    %mul3A_0 = arith.muli %arg1, %mul3A : i32
    %add3A = arith.addi %mul3A_0, %arg0 : i32
    %mul3A_1 = arith.constant 6400 : i32
    %mul3A_2 = arith.muli %add3A, %mul3A_1 : i32
    "tpu.region"() ({
      %run_scoped3A = tpu.sem_alloc : memref<!tpu.dma_semaphore, #tpu.memory_space<semaphore_mem>>
      %dma_start3A_59 = arith.constant 0 : i32
      %dma_start3A_60 = arith.constant 0 : i32
      %dma_start3A_61 = tpu.memref_slice %arg3[%add3A, %dma_start3A_59, %dma_start3A_60] : memref<32x200x32xi32, #tpu.memory_space<hbm>> -> memref<1x200x32xi32, #tpu.memory_space<hbm>>
      %dma_start3A_62 = tpu.memref_squeeze %dma_start3A_61 : memref<1x200x32xi32, #tpu.memory_space<hbm>> -> memref<200x32xi32, #tpu.memory_space<hbm>>
      %dma_start3A_63 = arith.constant 0 : i32
      %dma_start3A_64 = arith.constant 0 : i32
      %dma_start3A_65 = tpu.memref_slice %arg3[%add3A, %dma_start3A_63, %dma_start3A_64] : memref<32x200x32xi32, #tpu.memory_space<hbm>> -> memref<1x200x32xi32, #tpu.memory_space<hbm>>
      %dma_start3A_66 = tpu.memref_squeeze %dma_start3A_65 : memref<1x200x32xi32, #tpu.memory_space<hbm>> -> memref<200x32xi32, #tpu.memory_space<hbm>>
      tpu.enqueue_dma source(%dma_start3A_66 : memref<200x32xi32, #tpu.memory_space<hbm>>) target(%arg5 : memref<200x32xi32, #tpu.memory_space<vmem>>) target_semaphore(%run_scoped3A : memref<!tpu.dma_semaphore, #tpu.memory_space<semaphore_mem>>)
      %dma_wait3A_67 = arith.constant 0 : i32
      %dma_wait3A_68 = arith.constant 0 : i32
      %dma_wait3A_69 = tpu.memref_slice %arg3[%add3A, %dma_wait3A_67, %dma_wait3A_68] : memref<32x200x32xi32, #tpu.memory_space<hbm>> -> memref<1x200x32xi32, #tpu.memory_space<hbm>>
      %dma_wait3A_70 = tpu.memref_squeeze %dma_wait3A_69 : memref<1x200x32xi32, #tpu.memory_space<hbm>> -> memref<200x32xi32, #tpu.memory_space<hbm>>
      %dma_wait3A_71 = arith.constant 0 : i32
      %dma_wait3A_72 = arith.constant 0 : i32
      %dma_wait3A_73 = tpu.memref_slice %arg3[%add3A, %dma_wait3A_71, %dma_wait3A_72] : memref<32x200x32xi32, #tpu.memory_space<hbm>> -> memref<1x200x32xi32, #tpu.memory_space<hbm>>
      %dma_wait3A_74 = tpu.memref_squeeze %dma_wait3A_73 : memref<1x200x32xi32, #tpu.memory_space<hbm>> -> memref<200x32xi32, #tpu.memory_space<hbm>>
      tpu.wait_dma2 semaphore(%run_scoped3A : memref<!tpu.dma_semaphore, #tpu.memory_space<semaphore_mem>>) src(%dma_wait3A_74 : memref<200x32xi32, #tpu.memory_space<hbm>>) dst(%arg5 : memref<200x32xi32, #tpu.memory_space<vmem>>)
      tpu.yield
    }) : () -> ()
    %dma_start3A = arith.constant 0 : i32
    %dma_start3A_3 = arith.constant 0 : i32
    %dma_start3A_4 = arith.constant 0 : i32
    %dma_start3A_5 = arith.constant 0 : i32
    %dma_start3A_6 = tpu.memref_slice %arg6[%dma_start3A_3, %dma_start3A_4, %dma_start3A_5] : memref<4x32x768xf32, #tpu.memory_space<vmem>> -> memref<1x32x768xf32, #tpu.memory_space<vmem>>
    %dma_start3A_7 = tpu.memref_squeeze %dma_start3A_6 : memref<1x32x768xf32, #tpu.memory_space<vmem>> -> memref<32x768xf32, #tpu.memory_space<vmem>>
    %dma_start3A_8 = arith.constant 0 : i32
    %dma_start3A_9 = tpu.memref_slice %arg5[%dma_start3A, %dma_start3A_8] : memref<200x32xi32, #tpu.memory_space<vmem>> -> memref<1x32xi32, #tpu.memory_space<vmem>>
    %dma_start3A_10 = tpu.memref_squeeze %dma_start3A_9 : memref<1x32xi32, #tpu.memory_space<vmem>> -> memref<32xi32, #tpu.memory_space<vmem>>
    %dma_start3A_11 = arith.constant 0 : i32
    %dma_start3A_12 = arith.constant 0 : i32
    %dma_start3A_13 = tpu.memref_slice %arg2[%dma_start3A_11, %dma_start3A_12] : memref<30522x768xf32, #tpu.memory_space<hbm>> -> memref<30522x768xf32, #tpu.memory_space<hbm>>
    tpu.enqueue_indirect_dma source(%dma_start3A_13 : memref<30522x768xf32, #tpu.memory_space<hbm>>) target(%dma_start3A_7 : memref<32x768xf32, #tpu.memory_space<vmem>>) offsets(%dma_start3A_10 : memref<32xi32, #tpu.memory_space<vmem>>) semaphore(%arg7 : memref<!tpu.dma_semaphore, #tpu.memory_space<semaphore_mem>>)
    %dma_start3A_14 = arith.constant 1 : i32
    %dma_start3A_15 = arith.constant 1 : i32
    %dma_start3A_16 = arith.constant 0 : i32
    %dma_start3A_17 = arith.constant 0 : i32
    %dma_start3A_18 = tpu.memref_slice %arg6[%dma_start3A_15, %dma_start3A_16, %dma_start3A_17] : memref<4x32x768xf32, #tpu.memory_space<vmem>> -> memref<1x32x768xf32, #tpu.memory_space<vmem>>
    %dma_start3A_19 = tpu.memref_squeeze %dma_start3A_18 : memref<1x32x768xf32, #tpu.memory_space<vmem>> -> memref<32x768xf32, #tpu.memory_space<vmem>>
    %dma_start3A_20 = arith.constant 0 : i32
    %dma_start3A_21 = tpu.memref_slice %arg5[%dma_start3A_14, %dma_start3A_20] : memref<200x32xi32, #tpu.memory_space<vmem>> -> memref<1x32xi32, #tpu.memory_space<vmem>>
    %dma_start3A_22 = tpu.memref_squeeze %dma_start3A_21 : memref<1x32xi32, #tpu.memory_space<vmem>> -> memref<32xi32, #tpu.memory_space<vmem>>
    %dma_start3A_23 = arith.constant 0 : i32
    %dma_start3A_24 = arith.constant 0 : i32
    %dma_start3A_25 = tpu.memref_slice %arg2[%dma_start3A_23, %dma_start3A_24] : memref<30522x768xf32, #tpu.memory_space<hbm>> -> memref<30522x768xf32, #tpu.memory_space<hbm>>
    tpu.enqueue_indirect_dma source(%dma_start3A_25 : memref<30522x768xf32, #tpu.memory_space<hbm>>) target(%dma_start3A_19 : memref<32x768xf32, #tpu.memory_space<vmem>>) offsets(%dma_start3A_22 : memref<32xi32, #tpu.memory_space<vmem>>) semaphore(%arg8 : memref<!tpu.dma_semaphore, #tpu.memory_space<semaphore_mem>>)
    %scan3A = arith.constant 0 : i32
    %scan3A_26 = arith.constant 50 : i32
    %scan3A_27 = arith.addi %scan3A, %scan3A_26 : i32
    %scan3A_28 = arith.constant 1 : i32
    scf.for %scan3A_59 = %scan3A to %scan3A_27 step %scan3A_28  : i32 {
      %mul3A_60 = arith.constant 4 : i32
      %mul3A_61 = arith.muli %scan3A_59, %mul3A_60 : i32
      %add3A_62 = arith.constant 0 : i32
      %add3A_63 = arith.addi %add3A_62, %mul3A_61 : i32
      %add3A_64 = arith.constant 0 : i32
      %add3A_65 = arith.addi %add3A_63, %add3A_64 : i32
      %dma_wait3A_66 = arith.constant 0 : i32
      %dma_wait3A_67 = arith.constant 0 : i32
      %dma_wait3A_68 = arith.constant 0 : i32
      %dma_wait3A_69 = tpu.memref_slice %arg6[%dma_wait3A_66, %dma_wait3A_67, %dma_wait3A_68] : memref<4x32x768xf32, #tpu.memory_space<vmem>> -> memref<1x32x768xf32, #tpu.memory_space<vmem>>
      %dma_wait3A_70 = tpu.memref_squeeze %dma_wait3A_69 : memref<1x32x768xf32, #tpu.memory_space<vmem>> -> memref<32x768xf32, #tpu.memory_space<vmem>>
      %dma_wait3A_71 = arith.constant 0 : i32
      %dma_wait3A_72 = tpu.memref_slice %arg5[%add3A_65, %dma_wait3A_71] : memref<200x32xi32, #tpu.memory_space<vmem>> -> memref<1x32xi32, #tpu.memory_space<vmem>>
      %dma_wait3A_73 = tpu.memref_squeeze %dma_wait3A_72 : memref<1x32xi32, #tpu.memory_space<vmem>> -> memref<32xi32, #tpu.memory_space<vmem>>
      %dma_wait3A_74 = arith.constant 0 : i32
      %dma_wait3A_75 = arith.constant 0 : i32
      %dma_wait3A_76 = tpu.memref_slice %arg2[%dma_wait3A_74, %dma_wait3A_75] : memref<30522x768xf32, #tpu.memory_space<hbm>> -> memref<30522x768xf32, #tpu.memory_space<hbm>>
      tpu.wait_indirect_dma semaphore(%arg7 : memref<!tpu.dma_semaphore, #tpu.memory_space<semaphore_mem>>) src(%dma_wait3A_76 : memref<30522x768xf32, #tpu.memory_space<hbm>>) dst(%dma_wait3A_70 : memref<32x768xf32, #tpu.memory_space<vmem>>)
      %mul3A_77 = arith.constant 32 : i32
      %mul3A_78 = arith.muli %add3A_65, %mul3A_77 : i32
      %add3A_79 = arith.addi %mul3A_2, %mul3A_78 : i32
      %dma_start3A_80 = arith.constant 0 : i32
      %dma_start3A_81 = arith.constant 0 : i32
      %dma_start3A_82 = arith.constant 0 : i32
      %dma_start3A_83 = tpu.memref_slice %arg6[%dma_start3A_80, %dma_start3A_81, %dma_start3A_82] : memref<4x32x768xf32, #tpu.memory_space<vmem>> -> memref<1x32x768xf32, #tpu.memory_space<vmem>>
      %dma_start3A_84 = tpu.memref_squeeze %dma_start3A_83 : memref<1x32x768xf32, #tpu.memory_space<vmem>> -> memref<32x768xf32, #tpu.memory_space<vmem>>
      %dma_start3A_85 = arith.constant 0 : i32
      %dma_start3A_86 = tpu.memref_slice %arg4[%add3A_79, %dma_start3A_85] : memref<204800x768xf32, #tpu.memory_space<hbm>> -> memref<32x768xf32, #tpu.memory_space<hbm>>
      %dma_start3A_87 = arith.constant 0 : i32
      %dma_start3A_88 = tpu.memref_slice %arg4[%add3A_79, %dma_start3A_87] : memref<204800x768xf32, #tpu.memory_space<hbm>> -> memref<32x768xf32, #tpu.memory_space<hbm>>
      %dma_start3A_89 = arith.constant 0 : i32
      %dma_start3A_90 = arith.constant 0 : i32
      %dma_start3A_91 = tpu.memref_slice %arg6[%dma_start3A_80, %dma_start3A_89, %dma_start3A_90] : memref<4x32x768xf32, #tpu.memory_space<vmem>> -> memref<1x32x768xf32, #tpu.memory_space<vmem>>
      %dma_start3A_92 = tpu.memref_squeeze %dma_start3A_91 : memref<1x32x768xf32, #tpu.memory_space<vmem>> -> memref<32x768xf32, #tpu.memory_space<vmem>>
      tpu.enqueue_dma source(%dma_start3A_92 : memref<32x768xf32, #tpu.memory_space<vmem>>) target(%dma_start3A_88 : memref<32x768xf32, #tpu.memory_space<hbm>>) target_semaphore(%arg11 : memref<!tpu.dma_semaphore, #tpu.memory_space<semaphore_mem>>)
      %ge3A = arith.constant 2 : i32
      %ge3A_93 = arith.cmpi sge, %add3A_65, %ge3A : i32
      %convert_element_type3A = arith.extui %ge3A_93 : i1 to i32
      %cond3A = arith.constant 0 : i32
      %cond3A_94 = arith.cmpi ne, %convert_element_type3A, %cond3A : i32
      scf.if %cond3A_94 {
        %sub3A = arith.constant 2 : i32
        %sub3A_224 = arith.subi %add3A_65, %sub3A : i32
        %mul3A_225 = arith.constant 32 : i32
        %mul3A_226 = arith.muli %sub3A_224, %mul3A_225 : i32
        %add3A_227 = arith.addi %mul3A_2, %mul3A_226 : i32
        %dma_wait3A_228 = arith.constant 2 : i32
        %dma_wait3A_229 = arith.constant 0 : i32
        %dma_wait3A_230 = arith.constant 0 : i32
        %dma_wait3A_231 = tpu.memref_slice %arg6[%dma_wait3A_228, %dma_wait3A_229, %dma_wait3A_230] : memref<4x32x768xf32, #tpu.memory_space<vmem>> -> memref<1x32x768xf32, #tpu.memory_space<vmem>>
        %dma_wait3A_232 = tpu.memref_squeeze %dma_wait3A_231 : memref<1x32x768xf32, #tpu.memory_space<vmem>> -> memref<32x768xf32, #tpu.memory_space<vmem>>
        %dma_wait3A_233 = arith.constant 0 : i32
        %dma_wait3A_234 = tpu.memref_slice %arg4[%add3A_227, %dma_wait3A_233] : memref<204800x768xf32, #tpu.memory_space<hbm>> -> memref<32x768xf32, #tpu.memory_space<hbm>>
        %dma_wait3A_235 = arith.constant 0 : i32
        %dma_wait3A_236 = tpu.memref_slice %arg4[%add3A_227, %dma_wait3A_235] : memref<204800x768xf32, #tpu.memory_space<hbm>> -> memref<32x768xf32, #tpu.memory_space<hbm>>
        %dma_wait3A_237 = arith.constant 0 : i32
        %dma_wait3A_238 = arith.constant 0 : i32
        %dma_wait3A_239 = tpu.memref_slice %arg6[%dma_wait3A_228, %dma_wait3A_237, %dma_wait3A_238] : memref<4x32x768xf32, #tpu.memory_space<vmem>> -> memref<1x32x768xf32, #tpu.memory_space<vmem>>
        %dma_wait3A_240 = tpu.memref_squeeze %dma_wait3A_239 : memref<1x32x768xf32, #tpu.memory_space<vmem>> -> memref<32x768xf32, #tpu.memory_space<vmem>>
        tpu.wait_dma2 semaphore(%arg13 : memref<!tpu.dma_semaphore, #tpu.memory_space<semaphore_mem>>) src(%dma_wait3A_240 : memref<32x768xf32, #tpu.memory_space<vmem>>) dst(%dma_wait3A_236 : memref<32x768xf32, #tpu.memory_space<hbm>>)
      } else {
      }
      %add3A_95 = arith.constant 2 : i32
      %add3A_96 = arith.addi %add3A_65, %add3A_95 : i32
      %lt3A = arith.constant 200 : i32
      %lt3A_97 = arith.cmpi slt, %add3A_96, %lt3A : i32
      %convert_element_type3A_98 = arith.extui %lt3A_97 : i1 to i32
      %cond3A_99 = arith.constant 0 : i32
      %cond3A_100 = arith.cmpi ne, %convert_element_type3A_98, %cond3A_99 : i32
      scf.if %cond3A_100 {
        %add3A_224 = arith.constant 2 : i32
        %add3A_225 = arith.addi %add3A_65, %add3A_224 : i32
        %dma_start3A_226 = arith.constant 2 : i32
        %dma_start3A_227 = arith.constant 0 : i32
        %dma_start3A_228 = arith.constant 0 : i32
        %dma_start3A_229 = tpu.memref_slice %arg6[%dma_start3A_226, %dma_start3A_227, %dma_start3A_228] : memref<4x32x768xf32, #tpu.memory_space<vmem>> -> memref<1x32x768xf32, #tpu.memory_space<vmem>>
        %dma_start3A_230 = tpu.memref_squeeze %dma_start3A_229 : memref<1x32x768xf32, #tpu.memory_space<vmem>> -> memref<32x768xf32, #tpu.memory_space<vmem>>
        %dma_start3A_231 = arith.constant 0 : i32
        %dma_start3A_232 = tpu.memref_slice %arg5[%add3A_225, %dma_start3A_231] : memref<200x32xi32, #tpu.memory_space<vmem>> -> memref<1x32xi32, #tpu.memory_space<vmem>>
        %dma_start3A_233 = tpu.memref_squeeze %dma_start3A_232 : memref<1x32xi32, #tpu.memory_space<vmem>> -> memref<32xi32, #tpu.memory_space<vmem>>
        %dma_start3A_234 = arith.constant 0 : i32
        %dma_start3A_235 = arith.constant 0 : i32
        %dma_start3A_236 = tpu.memref_slice %arg2[%dma_start3A_234, %dma_start3A_235] : memref<30522x768xf32, #tpu.memory_space<hbm>> -> memref<30522x768xf32, #tpu.memory_space<hbm>>
        tpu.enqueue_indirect_dma source(%dma_start3A_236 : memref<30522x768xf32, #tpu.memory_space<hbm>>) target(%dma_start3A_230 : memref<32x768xf32, #tpu.memory_space<vmem>>) offsets(%dma_start3A_233 : memref<32xi32, #tpu.memory_space<vmem>>) semaphore(%arg9 : memref<!tpu.dma_semaphore, #tpu.memory_space<semaphore_mem>>)
      } else {
      }
      %add3A_101 = arith.constant 1 : i32
      %add3A_102 = arith.addi %add3A_63, %add3A_101 : i32
      %dma_wait3A_103 = arith.constant 1 : i32
      %dma_wait3A_104 = arith.constant 0 : i32
      %dma_wait3A_105 = arith.constant 0 : i32
      %dma_wait3A_106 = tpu.memref_slice %arg6[%dma_wait3A_103, %dma_wait3A_104, %dma_wait3A_105] : memref<4x32x768xf32, #tpu.memory_space<vmem>> -> memref<1x32x768xf32, #tpu.memory_space<vmem>>
      %dma_wait3A_107 = tpu.memref_squeeze %dma_wait3A_106 : memref<1x32x768xf32, #tpu.memory_space<vmem>> -> memref<32x768xf32, #tpu.memory_space<vmem>>
      %dma_wait3A_108 = arith.constant 0 : i32
      %dma_wait3A_109 = tpu.memref_slice %arg5[%add3A_102, %dma_wait3A_108] : memref<200x32xi32, #tpu.memory_space<vmem>> -> memref<1x32xi32, #tpu.memory_space<vmem>>
      %dma_wait3A_110 = tpu.memref_squeeze %dma_wait3A_109 : memref<1x32xi32, #tpu.memory_space<vmem>> -> memref<32xi32, #tpu.memory_space<vmem>>
      %dma_wait3A_111 = arith.constant 0 : i32
      %dma_wait3A_112 = arith.constant 0 : i32
      %dma_wait3A_113 = tpu.memref_slice %arg2[%dma_wait3A_111, %dma_wait3A_112] : memref<30522x768xf32, #tpu.memory_space<hbm>> -> memref<30522x768xf32, #tpu.memory_space<hbm>>
      tpu.wait_indirect_dma semaphore(%arg8 : memref<!tpu.dma_semaphore, #tpu.memory_space<semaphore_mem>>) src(%dma_wait3A_113 : memref<30522x768xf32, #tpu.memory_space<hbm>>) dst(%dma_wait3A_107 : memref<32x768xf32, #tpu.memory_space<vmem>>)
      %mul3A_114 = arith.constant 32 : i32
      %mul3A_115 = arith.muli %add3A_102, %mul3A_114 : i32
      %add3A_116 = arith.addi %mul3A_2, %mul3A_115 : i32
      %dma_start3A_117 = arith.constant 1 : i32
      %dma_start3A_118 = arith.constant 0 : i32
      %dma_start3A_119 = arith.constant 0 : i32
      %dma_start3A_120 = tpu.memref_slice %arg6[%dma_start3A_117, %dma_start3A_118, %dma_start3A_119] : memref<4x32x768xf32, #tpu.memory_space<vmem>> -> memref<1x32x768xf32, #tpu.memory_space<vmem>>
      %dma_start3A_121 = tpu.memref_squeeze %dma_start3A_120 : memref<1x32x768xf32, #tpu.memory_space<vmem>> -> memref<32x768xf32, #tpu.memory_space<vmem>>
      %dma_start3A_122 = arith.constant 0 : i32
      %dma_start3A_123 = tpu.memref_slice %arg4[%add3A_116, %dma_start3A_122] : memref<204800x768xf32, #tpu.memory_space<hbm>> -> memref<32x768xf32, #tpu.memory_space<hbm>>
      %dma_start3A_124 = arith.constant 0 : i32
      %dma_start3A_125 = tpu.memref_slice %arg4[%add3A_116, %dma_start3A_124] : memref<204800x768xf32, #tpu.memory_space<hbm>> -> memref<32x768xf32, #tpu.memory_space<hbm>>
      %dma_start3A_126 = arith.constant 0 : i32
      %dma_start3A_127 = arith.constant 0 : i32
      %dma_start3A_128 = tpu.memref_slice %arg6[%dma_start3A_117, %dma_start3A_126, %dma_start3A_127] : memref<4x32x768xf32, #tpu.memory_space<vmem>> -> memref<1x32x768xf32, #tpu.memory_space<vmem>>
      %dma_start3A_129 = tpu.memref_squeeze %dma_start3A_128 : memref<1x32x768xf32, #tpu.memory_space<vmem>> -> memref<32x768xf32, #tpu.memory_space<vmem>>
      tpu.enqueue_dma source(%dma_start3A_129 : memref<32x768xf32, #tpu.memory_space<vmem>>) target(%dma_start3A_125 : memref<32x768xf32, #tpu.memory_space<hbm>>) target_semaphore(%arg12 : memref<!tpu.dma_semaphore, #tpu.memory_space<semaphore_mem>>)
      %ge3A_130 = arith.constant 2 : i32
      %ge3A_131 = arith.cmpi sge, %add3A_102, %ge3A_130 : i32
      %convert_element_type3A_132 = arith.extui %ge3A_131 : i1 to i32
      %cond3A_133 = arith.constant 0 : i32
      %cond3A_134 = arith.cmpi ne, %convert_element_type3A_132, %cond3A_133 : i32
      scf.if %cond3A_134 {
        %sub3A = arith.constant 2 : i32
        %sub3A_224 = arith.subi %add3A_102, %sub3A : i32
        %mul3A_225 = arith.constant 32 : i32
        %mul3A_226 = arith.muli %sub3A_224, %mul3A_225 : i32
        %add3A_227 = arith.addi %mul3A_2, %mul3A_226 : i32
        %dma_wait3A_228 = arith.constant 3 : i32
        %dma_wait3A_229 = arith.constant 0 : i32
        %dma_wait3A_230 = arith.constant 0 : i32
        %dma_wait3A_231 = tpu.memref_slice %arg6[%dma_wait3A_228, %dma_wait3A_229, %dma_wait3A_230] : memref<4x32x768xf32, #tpu.memory_space<vmem>> -> memref<1x32x768xf32, #tpu.memory_space<vmem>>
        %dma_wait3A_232 = tpu.memref_squeeze %dma_wait3A_231 : memref<1x32x768xf32, #tpu.memory_space<vmem>> -> memref<32x768xf32, #tpu.memory_space<vmem>>
        %dma_wait3A_233 = arith.constant 0 : i32
        %dma_wait3A_234 = tpu.memref_slice %arg4[%add3A_227, %dma_wait3A_233] : memref<204800x768xf32, #tpu.memory_space<hbm>> -> memref<32x768xf32, #tpu.memory_space<hbm>>
        %dma_wait3A_235 = arith.constant 0 : i32
        %dma_wait3A_236 = tpu.memref_slice %arg4[%add3A_227, %dma_wait3A_235] : memref<204800x768xf32, #tpu.memory_space<hbm>> -> memref<32x768xf32, #tpu.memory_space<hbm>>
        %dma_wait3A_237 = arith.constant 0 : i32
        %dma_wait3A_238 = arith.constant 0 : i32
        %dma_wait3A_239 = tpu.memref_slice %arg6[%dma_wait3A_228, %dma_wait3A_237, %dma_wait3A_238] : memref<4x32x768xf32, #tpu.memory_space<vmem>> -> memref<1x32x768xf32, #tpu.memory_space<vmem>>
        %dma_wait3A_240 = tpu.memref_squeeze %dma_wait3A_239 : memref<1x32x768xf32, #tpu.memory_space<vmem>> -> memref<32x768xf32, #tpu.memory_space<vmem>>
        tpu.wait_dma2 semaphore(%arg14 : memref<!tpu.dma_semaphore, #tpu.memory_space<semaphore_mem>>) src(%dma_wait3A_240 : memref<32x768xf32, #tpu.memory_space<vmem>>) dst(%dma_wait3A_236 : memref<32x768xf32, #tpu.memory_space<hbm>>)
      } else {
      }
      %add3A_135 = arith.constant 2 : i32
      %add3A_136 = arith.addi %add3A_102, %add3A_135 : i32
      %lt3A_137 = arith.constant 200 : i32
      %lt3A_138 = arith.cmpi slt, %add3A_136, %lt3A_137 : i32
      %convert_element_type3A_139 = arith.extui %lt3A_138 : i1 to i32
      %cond3A_140 = arith.constant 0 : i32
      %cond3A_141 = arith.cmpi ne, %convert_element_type3A_139, %cond3A_140 : i32
      scf.if %cond3A_141 {
        %add3A_224 = arith.constant 2 : i32
        %add3A_225 = arith.addi %add3A_102, %add3A_224 : i32
        %dma_start3A_226 = arith.constant 3 : i32
        %dma_start3A_227 = arith.constant 0 : i32
        %dma_start3A_228 = arith.constant 0 : i32
        %dma_start3A_229 = tpu.memref_slice %arg6[%dma_start3A_226, %dma_start3A_227, %dma_start3A_228] : memref<4x32x768xf32, #tpu.memory_space<vmem>> -> memref<1x32x768xf32, #tpu.memory_space<vmem>>
        %dma_start3A_230 = tpu.memref_squeeze %dma_start3A_229 : memref<1x32x768xf32, #tpu.memory_space<vmem>> -> memref<32x768xf32, #tpu.memory_space<vmem>>
        %dma_start3A_231 = arith.constant 0 : i32
        %dma_start3A_232 = tpu.memref_slice %arg5[%add3A_225, %dma_start3A_231] : memref<200x32xi32, #tpu.memory_space<vmem>> -> memref<1x32xi32, #tpu.memory_space<vmem>>
        %dma_start3A_233 = tpu.memref_squeeze %dma_start3A_232 : memref<1x32xi32, #tpu.memory_space<vmem>> -> memref<32xi32, #tpu.memory_space<vmem>>
        %dma_start3A_234 = arith.constant 0 : i32
        %dma_start3A_235 = arith.constant 0 : i32
        %dma_start3A_236 = tpu.memref_slice %arg2[%dma_start3A_234, %dma_start3A_235] : memref<30522x768xf32, #tpu.memory_space<hbm>> -> memref<30522x768xf32, #tpu.memory_space<hbm>>
        tpu.enqueue_indirect_dma source(%dma_start3A_236 : memref<30522x768xf32, #tpu.memory_space<hbm>>) target(%dma_start3A_230 : memref<32x768xf32, #tpu.memory_space<vmem>>) offsets(%dma_start3A_233 : memref<32xi32, #tpu.memory_space<vmem>>) semaphore(%arg10 : memref<!tpu.dma_semaphore, #tpu.memory_space<semaphore_mem>>)
      } else {
      }
      %add3A_142 = arith.constant 2 : i32
      %add3A_143 = arith.addi %add3A_63, %add3A_142 : i32
      %dma_wait3A_144 = arith.constant 2 : i32
      %dma_wait3A_145 = arith.constant 0 : i32
      %dma_wait3A_146 = arith.constant 0 : i32
      %dma_wait3A_147 = tpu.memref_slice %arg6[%dma_wait3A_144, %dma_wait3A_145, %dma_wait3A_146] : memref<4x32x768xf32, #tpu.memory_space<vmem>> -> memref<1x32x768xf32, #tpu.memory_space<vmem>>
      %dma_wait3A_148 = tpu.memref_squeeze %dma_wait3A_147 : memref<1x32x768xf32, #tpu.memory_space<vmem>> -> memref<32x768xf32, #tpu.memory_space<vmem>>
      %dma_wait3A_149 = arith.constant 0 : i32
      %dma_wait3A_150 = tpu.memref_slice %arg5[%add3A_143, %dma_wait3A_149] : memref<200x32xi32, #tpu.memory_space<vmem>> -> memref<1x32xi32, #tpu.memory_space<vmem>>
      %dma_wait3A_151 = tpu.memref_squeeze %dma_wait3A_150 : memref<1x32xi32, #tpu.memory_space<vmem>> -> memref<32xi32, #tpu.memory_space<vmem>>
      %dma_wait3A_152 = arith.constant 0 : i32
      %dma_wait3A_153 = arith.constant 0 : i32
      %dma_wait3A_154 = tpu.memref_slice %arg2[%dma_wait3A_152, %dma_wait3A_153] : memref<30522x768xf32, #tpu.memory_space<hbm>> -> memref<30522x768xf32, #tpu.memory_space<hbm>>
      tpu.wait_indirect_dma semaphore(%arg9 : memref<!tpu.dma_semaphore, #tpu.memory_space<semaphore_mem>>) src(%dma_wait3A_154 : memref<30522x768xf32, #tpu.memory_space<hbm>>) dst(%dma_wait3A_148 : memref<32x768xf32, #tpu.memory_space<vmem>>)
      %mul3A_155 = arith.constant 32 : i32
      %mul3A_156 = arith.muli %add3A_143, %mul3A_155 : i32
      %add3A_157 = arith.addi %mul3A_2, %mul3A_156 : i32
      %dma_start3A_158 = arith.constant 2 : i32
      %dma_start3A_159 = arith.constant 0 : i32
      %dma_start3A_160 = arith.constant 0 : i32
      %dma_start3A_161 = tpu.memref_slice %arg6[%dma_start3A_158, %dma_start3A_159, %dma_start3A_160] : memref<4x32x768xf32, #tpu.memory_space<vmem>> -> memref<1x32x768xf32, #tpu.memory_space<vmem>>
      %dma_start3A_162 = tpu.memref_squeeze %dma_start3A_161 : memref<1x32x768xf32, #tpu.memory_space<vmem>> -> memref<32x768xf32, #tpu.memory_space<vmem>>
      %dma_start3A_163 = arith.constant 0 : i32
      %dma_start3A_164 = tpu.memref_slice %arg4[%add3A_157, %dma_start3A_163] : memref<204800x768xf32, #tpu.memory_space<hbm>> -> memref<32x768xf32, #tpu.memory_space<hbm>>
      %dma_start3A_165 = arith.constant 0 : i32
      %dma_start3A_166 = tpu.memref_slice %arg4[%add3A_157, %dma_start3A_165] : memref<204800x768xf32, #tpu.memory_space<hbm>> -> memref<32x768xf32, #tpu.memory_space<hbm>>
      %dma_start3A_167 = arith.constant 0 : i32
      %dma_start3A_168 = arith.constant 0 : i32
      %dma_start3A_169 = tpu.memref_slice %arg6[%dma_start3A_158, %dma_start3A_167, %dma_start3A_168] : memref<4x32x768xf32, #tpu.memory_space<vmem>> -> memref<1x32x768xf32, #tpu.memory_space<vmem>>
      %dma_start3A_170 = tpu.memref_squeeze %dma_start3A_169 : memref<1x32x768xf32, #tpu.memory_space<vmem>> -> memref<32x768xf32, #tpu.memory_space<vmem>>
      tpu.enqueue_dma source(%dma_start3A_170 : memref<32x768xf32, #tpu.memory_space<vmem>>) target(%dma_start3A_166 : memref<32x768xf32, #tpu.memory_space<hbm>>) target_semaphore(%arg13 : memref<!tpu.dma_semaphore, #tpu.memory_space<semaphore_mem>>)
      %ge3A_171 = arith.constant 2 : i32
      %ge3A_172 = arith.cmpi sge, %add3A_143, %ge3A_171 : i32
      %convert_element_type3A_173 = arith.extui %ge3A_172 : i1 to i32
      %cond3A_174 = arith.constant 0 : i32
      %cond3A_175 = arith.cmpi ne, %convert_element_type3A_173, %cond3A_174 : i32
      scf.if %cond3A_175 {
        %sub3A = arith.constant 2 : i32
        %sub3A_224 = arith.subi %add3A_143, %sub3A : i32
        %mul3A_225 = arith.constant 32 : i32
        %mul3A_226 = arith.muli %sub3A_224, %mul3A_225 : i32
        %add3A_227 = arith.addi %mul3A_2, %mul3A_226 : i32
        %dma_wait3A_228 = arith.constant 0 : i32
        %dma_wait3A_229 = arith.constant 0 : i32
        %dma_wait3A_230 = arith.constant 0 : i32
        %dma_wait3A_231 = tpu.memref_slice %arg6[%dma_wait3A_228, %dma_wait3A_229, %dma_wait3A_230] : memref<4x32x768xf32, #tpu.memory_space<vmem>> -> memref<1x32x768xf32, #tpu.memory_space<vmem>>
        %dma_wait3A_232 = tpu.memref_squeeze %dma_wait3A_231 : memref<1x32x768xf32, #tpu.memory_space<vmem>> -> memref<32x768xf32, #tpu.memory_space<vmem>>
        %dma_wait3A_233 = arith.constant 0 : i32
        %dma_wait3A_234 = tpu.memref_slice %arg4[%add3A_227, %dma_wait3A_233] : memref<204800x768xf32, #tpu.memory_space<hbm>> -> memref<32x768xf32, #tpu.memory_space<hbm>>
        %dma_wait3A_235 = arith.constant 0 : i32
        %dma_wait3A_236 = tpu.memref_slice %arg4[%add3A_227, %dma_wait3A_235] : memref<204800x768xf32, #tpu.memory_space<hbm>> -> memref<32x768xf32, #tpu.memory_space<hbm>>
        %dma_wait3A_237 = arith.constant 0 : i32
        %dma_wait3A_238 = arith.constant 0 : i32
        %dma_wait3A_239 = tpu.memref_slice %arg6[%dma_wait3A_228, %dma_wait3A_237, %dma_wait3A_238] : memref<4x32x768xf32, #tpu.memory_space<vmem>> -> memref<1x32x768xf32, #tpu.memory_space<vmem>>
        %dma_wait3A_240 = tpu.memref_squeeze %dma_wait3A_239 : memref<1x32x768xf32, #tpu.memory_space<vmem>> -> memref<32x768xf32, #tpu.memory_space<vmem>>
        tpu.wait_dma2 semaphore(%arg11 : memref<!tpu.dma_semaphore, #tpu.memory_space<semaphore_mem>>) src(%dma_wait3A_240 : memref<32x768xf32, #tpu.memory_space<vmem>>) dst(%dma_wait3A_236 : memref<32x768xf32, #tpu.memory_space<hbm>>)
      } else {
      }
      %add3A_176 = arith.constant 2 : i32
      %add3A_177 = arith.addi %add3A_143, %add3A_176 : i32
      %lt3A_178 = arith.constant 200 : i32
      %lt3A_179 = arith.cmpi slt, %add3A_177, %lt3A_178 : i32
      %convert_element_type3A_180 = arith.extui %lt3A_179 : i1 to i32
      %cond3A_181 = arith.constant 0 : i32
      %cond3A_182 = arith.cmpi ne, %convert_element_type3A_180, %cond3A_181 : i32
      scf.if %cond3A_182 {
        %add3A_224 = arith.constant 2 : i32
        %add3A_225 = arith.addi %add3A_143, %add3A_224 : i32
        %dma_start3A_226 = arith.constant 0 : i32
        %dma_start3A_227 = arith.constant 0 : i32
        %dma_start3A_228 = arith.constant 0 : i32
        %dma_start3A_229 = tpu.memref_slice %arg6[%dma_start3A_226, %dma_start3A_227, %dma_start3A_228] : memref<4x32x768xf32, #tpu.memory_space<vmem>> -> memref<1x32x768xf32, #tpu.memory_space<vmem>>
        %dma_start3A_230 = tpu.memref_squeeze %dma_start3A_229 : memref<1x32x768xf32, #tpu.memory_space<vmem>> -> memref<32x768xf32, #tpu.memory_space<vmem>>
        %dma_start3A_231 = arith.constant 0 : i32
        %dma_start3A_232 = tpu.memref_slice %arg5[%add3A_225, %dma_start3A_231] : memref<200x32xi32, #tpu.memory_space<vmem>> -> memref<1x32xi32, #tpu.memory_space<vmem>>
        %dma_start3A_233 = tpu.memref_squeeze %dma_start3A_232 : memref<1x32xi32, #tpu.memory_space<vmem>> -> memref<32xi32, #tpu.memory_space<vmem>>
        %dma_start3A_234 = arith.constant 0 : i32
        %dma_start3A_235 = arith.constant 0 : i32
        %dma_start3A_236 = tpu.memref_slice %arg2[%dma_start3A_234, %dma_start3A_235] : memref<30522x768xf32, #tpu.memory_space<hbm>> -> memref<30522x768xf32, #tpu.memory_space<hbm>>
        tpu.enqueue_indirect_dma source(%dma_start3A_236 : memref<30522x768xf32, #tpu.memory_space<hbm>>) target(%dma_start3A_230 : memref<32x768xf32, #tpu.memory_space<vmem>>) offsets(%dma_start3A_233 : memref<32xi32, #tpu.memory_space<vmem>>) semaphore(%arg7 : memref<!tpu.dma_semaphore, #tpu.memory_space<semaphore_mem>>)
      } else {
      }
      %add3A_183 = arith.constant 3 : i32
      %add3A_184 = arith.addi %add3A_63, %add3A_183 : i32
      %dma_wait3A_185 = arith.constant 3 : i32
      %dma_wait3A_186 = arith.constant 0 : i32
      %dma_wait3A_187 = arith.constant 0 : i32
      %dma_wait3A_188 = tpu.memref_slice %arg6[%dma_wait3A_185, %dma_wait3A_186, %dma_wait3A_187] : memref<4x32x768xf32, #tpu.memory_space<vmem>> -> memref<1x32x768xf32, #tpu.memory_space<vmem>>
      %dma_wait3A_189 = tpu.memref_squeeze %dma_wait3A_188 : memref<1x32x768xf32, #tpu.memory_space<vmem>> -> memref<32x768xf32, #tpu.memory_space<vmem>>
      %dma_wait3A_190 = arith.constant 0 : i32
      %dma_wait3A_191 = tpu.memref_slice %arg5[%add3A_184, %dma_wait3A_190] : memref<200x32xi32, #tpu.memory_space<vmem>> -> memref<1x32xi32, #tpu.memory_space<vmem>>
      %dma_wait3A_192 = tpu.memref_squeeze %dma_wait3A_191 : memref<1x32xi32, #tpu.memory_space<vmem>> -> memref<32xi32, #tpu.memory_space<vmem>>
      %dma_wait3A_193 = arith.constant 0 : i32
      %dma_wait3A_194 = arith.constant 0 : i32
      %dma_wait3A_195 = tpu.memref_slice %arg2[%dma_wait3A_193, %dma_wait3A_194] : memref<30522x768xf32, #tpu.memory_space<hbm>> -> memref<30522x768xf32, #tpu.memory_space<hbm>>
      tpu.wait_indirect_dma semaphore(%arg10 : memref<!tpu.dma_semaphore, #tpu.memory_space<semaphore_mem>>) src(%dma_wait3A_195 : memref<30522x768xf32, #tpu.memory_space<hbm>>) dst(%dma_wait3A_189 : memref<32x768xf32, #tpu.memory_space<vmem>>)
      %mul3A_196 = arith.constant 32 : i32
      %mul3A_197 = arith.muli %add3A_184, %mul3A_196 : i32
      %add3A_198 = arith.addi %mul3A_2, %mul3A_197 : i32
      %dma_start3A_199 = arith.constant 3 : i32
      %dma_start3A_200 = arith.constant 0 : i32
      %dma_start3A_201 = arith.constant 0 : i32
      %dma_start3A_202 = tpu.memref_slice %arg6[%dma_start3A_199, %dma_start3A_200, %dma_start3A_201] : memref<4x32x768xf32, #tpu.memory_space<vmem>> -> memref<1x32x768xf32, #tpu.memory_space<vmem>>
      %dma_start3A_203 = tpu.memref_squeeze %dma_start3A_202 : memref<1x32x768xf32, #tpu.memory_space<vmem>> -> memref<32x768xf32, #tpu.memory_space<vmem>>
      %dma_start3A_204 = arith.constant 0 : i32
      %dma_start3A_205 = tpu.memref_slice %arg4[%add3A_198, %dma_start3A_204] : memref<204800x768xf32, #tpu.memory_space<hbm>> -> memref<32x768xf32, #tpu.memory_space<hbm>>
      %dma_start3A_206 = arith.constant 0 : i32
      %dma_start3A_207 = tpu.memref_slice %arg4[%add3A_198, %dma_start3A_206] : memref<204800x768xf32, #tpu.memory_space<hbm>> -> memref<32x768xf32, #tpu.memory_space<hbm>>
      %dma_start3A_208 = arith.constant 0 : i32
      %dma_start3A_209 = arith.constant 0 : i32
      %dma_start3A_210 = tpu.memref_slice %arg6[%dma_start3A_199, %dma_start3A_208, %dma_start3A_209] : memref<4x32x768xf32, #tpu.memory_space<vmem>> -> memref<1x32x768xf32, #tpu.memory_space<vmem>>
      %dma_start3A_211 = tpu.memref_squeeze %dma_start3A_210 : memref<1x32x768xf32, #tpu.memory_space<vmem>> -> memref<32x768xf32, #tpu.memory_space<vmem>>
      tpu.enqueue_dma source(%dma_start3A_211 : memref<32x768xf32, #tpu.memory_space<vmem>>) target(%dma_start3A_207 : memref<32x768xf32, #tpu.memory_space<hbm>>) target_semaphore(%arg14 : memref<!tpu.dma_semaphore, #tpu.memory_space<semaphore_mem>>)
      %ge3A_212 = arith.constant 2 : i32
      %ge3A_213 = arith.cmpi sge, %add3A_184, %ge3A_212 : i32
      %convert_element_type3A_214 = arith.extui %ge3A_213 : i1 to i32
      %cond3A_215 = arith.constant 0 : i32
      %cond3A_216 = arith.cmpi ne, %convert_element_type3A_214, %cond3A_215 : i32
      scf.if %cond3A_216 {
        %sub3A = arith.constant 2 : i32
        %sub3A_224 = arith.subi %add3A_184, %sub3A : i32
        %mul3A_225 = arith.constant 32 : i32
        %mul3A_226 = arith.muli %sub3A_224, %mul3A_225 : i32
        %add3A_227 = arith.addi %mul3A_2, %mul3A_226 : i32
        %dma_wait3A_228 = arith.constant 1 : i32
        %dma_wait3A_229 = arith.constant 0 : i32
        %dma_wait3A_230 = arith.constant 0 : i32
        %dma_wait3A_231 = tpu.memref_slice %arg6[%dma_wait3A_228, %dma_wait3A_229, %dma_wait3A_230] : memref<4x32x768xf32, #tpu.memory_space<vmem>> -> memref<1x32x768xf32, #tpu.memory_space<vmem>>
        %dma_wait3A_232 = tpu.memref_squeeze %dma_wait3A_231 : memref<1x32x768xf32, #tpu.memory_space<vmem>> -> memref<32x768xf32, #tpu.memory_space<vmem>>
        %dma_wait3A_233 = arith.constant 0 : i32
        %dma_wait3A_234 = tpu.memref_slice %arg4[%add3A_227, %dma_wait3A_233] : memref<204800x768xf32, #tpu.memory_space<hbm>> -> memref<32x768xf32, #tpu.memory_space<hbm>>
        %dma_wait3A_235 = arith.constant 0 : i32
        %dma_wait3A_236 = tpu.memref_slice %arg4[%add3A_227, %dma_wait3A_235] : memref<204800x768xf32, #tpu.memory_space<hbm>> -> memref<32x768xf32, #tpu.memory_space<hbm>>
        %dma_wait3A_237 = arith.constant 0 : i32
        %dma_wait3A_238 = arith.constant 0 : i32
        %dma_wait3A_239 = tpu.memref_slice %arg6[%dma_wait3A_228, %dma_wait3A_237, %dma_wait3A_238] : memref<4x32x768xf32, #tpu.memory_space<vmem>> -> memref<1x32x768xf32, #tpu.memory_space<vmem>>
        %dma_wait3A_240 = tpu.memref_squeeze %dma_wait3A_239 : memref<1x32x768xf32, #tpu.memory_space<vmem>> -> memref<32x768xf32, #tpu.memory_space<vmem>>
        tpu.wait_dma2 semaphore(%arg12 : memref<!tpu.dma_semaphore, #tpu.memory_space<semaphore_mem>>) src(%dma_wait3A_240 : memref<32x768xf32, #tpu.memory_space<vmem>>) dst(%dma_wait3A_236 : memref<32x768xf32, #tpu.memory_space<hbm>>)
      } else {
      }
      %add3A_217 = arith.constant 2 : i32
      %add3A_218 = arith.addi %add3A_184, %add3A_217 : i32
      %lt3A_219 = arith.constant 200 : i32
      %lt3A_220 = arith.cmpi slt, %add3A_218, %lt3A_219 : i32
      %convert_element_type3A_221 = arith.extui %lt3A_220 : i1 to i32
      %cond3A_222 = arith.constant 0 : i32
      %cond3A_223 = arith.cmpi ne, %convert_element_type3A_221, %cond3A_222 : i32
      scf.if %cond3A_223 {
        %add3A_224 = arith.constant 2 : i32
        %add3A_225 = arith.addi %add3A_184, %add3A_224 : i32
        %dma_start3A_226 = arith.constant 1 : i32
        %dma_start3A_227 = arith.constant 0 : i32
        %dma_start3A_228 = arith.constant 0 : i32
        %dma_start3A_229 = tpu.memref_slice %arg6[%dma_start3A_226, %dma_start3A_227, %dma_start3A_228] : memref<4x32x768xf32, #tpu.memory_space<vmem>> -> memref<1x32x768xf32, #tpu.memory_space<vmem>>
        %dma_start3A_230 = tpu.memref_squeeze %dma_start3A_229 : memref<1x32x768xf32, #tpu.memory_space<vmem>> -> memref<32x768xf32, #tpu.memory_space<vmem>>
        %dma_start3A_231 = arith.constant 0 : i32
        %dma_start3A_232 = tpu.memref_slice %arg5[%add3A_225, %dma_start3A_231] : memref<200x32xi32, #tpu.memory_space<vmem>> -> memref<1x32xi32, #tpu.memory_space<vmem>>
        %dma_start3A_233 = tpu.memref_squeeze %dma_start3A_232 : memref<1x32xi32, #tpu.memory_space<vmem>> -> memref<32xi32, #tpu.memory_space<vmem>>
        %dma_start3A_234 = arith.constant 0 : i32
        %dma_start3A_235 = arith.constant 0 : i32
        %dma_start3A_236 = tpu.memref_slice %arg2[%dma_start3A_234, %dma_start3A_235] : memref<30522x768xf32, #tpu.memory_space<hbm>> -> memref<30522x768xf32, #tpu.memory_space<hbm>>
        tpu.enqueue_indirect_dma source(%dma_start3A_236 : memref<30522x768xf32, #tpu.memory_space<hbm>>) target(%dma_start3A_230 : memref<32x768xf32, #tpu.memory_space<vmem>>) offsets(%dma_start3A_233 : memref<32xi32, #tpu.memory_space<vmem>>) semaphore(%arg8 : memref<!tpu.dma_semaphore, #tpu.memory_space<semaphore_mem>>)
      } else {
      }
    }
    %scan3A_29 = arith.constant 50 : i32
    %add3A_30 = arith.constant 6336 : i32
    %add3A_31 = arith.addi %mul3A_2, %add3A_30 : i32
    %dma_wait3A = arith.constant 2 : i32
    %dma_wait3A_32 = arith.constant 0 : i32
    %dma_wait3A_33 = arith.constant 0 : i32
    %dma_wait3A_34 = tpu.memref_slice %arg6[%dma_wait3A, %dma_wait3A_32, %dma_wait3A_33] : memref<4x32x768xf32, #tpu.memory_space<vmem>> -> memref<1x32x768xf32, #tpu.memory_space<vmem>>
    %dma_wait3A_35 = tpu.memref_squeeze %dma_wait3A_34 : memref<1x32x768xf32, #tpu.memory_space<vmem>> -> memref<32x768xf32, #tpu.memory_space<vmem>>
    %dma_wait3A_36 = arith.constant 0 : i32
    %dma_wait3A_37 = tpu.memref_slice %arg4[%add3A_31, %dma_wait3A_36] : memref<204800x768xf32, #tpu.memory_space<hbm>> -> memref<32x768xf32, #tpu.memory_space<hbm>>
    %dma_wait3A_38 = arith.constant 0 : i32
    %dma_wait3A_39 = tpu.memref_slice %arg4[%add3A_31, %dma_wait3A_38] : memref<204800x768xf32, #tpu.memory_space<hbm>> -> memref<32x768xf32, #tpu.memory_space<hbm>>
    %dma_wait3A_40 = arith.constant 0 : i32
    %dma_wait3A_41 = arith.constant 0 : i32
    %dma_wait3A_42 = tpu.memref_slice %arg6[%dma_wait3A, %dma_wait3A_40, %dma_wait3A_41] : memref<4x32x768xf32, #tpu.memory_space<vmem>> -> memref<1x32x768xf32, #tpu.memory_space<vmem>>
    %dma_wait3A_43 = tpu.memref_squeeze %dma_wait3A_42 : memref<1x32x768xf32, #tpu.memory_space<vmem>> -> memref<32x768xf32, #tpu.memory_space<vmem>>
    tpu.wait_dma2 semaphore(%arg13 : memref<!tpu.dma_semaphore, #tpu.memory_space<semaphore_mem>>) src(%dma_wait3A_43 : memref<32x768xf32, #tpu.memory_space<vmem>>) dst(%dma_wait3A_39 : memref<32x768xf32, #tpu.memory_space<hbm>>)
    %add3A_44 = arith.constant 6368 : i32
    %add3A_45 = arith.addi %mul3A_2, %add3A_44 : i32
    %dma_wait3A_46 = arith.constant 3 : i32
    %dma_wait3A_47 = arith.constant 0 : i32
    %dma_wait3A_48 = arith.constant 0 : i32
    %dma_wait3A_49 = tpu.memref_slice %arg6[%dma_wait3A_46, %dma_wait3A_47, %dma_wait3A_48] : memref<4x32x768xf32, #tpu.memory_space<vmem>> -> memref<1x32x768xf32, #tpu.memory_space<vmem>>
    %dma_wait3A_50 = tpu.memref_squeeze %dma_wait3A_49 : memref<1x32x768xf32, #tpu.memory_space<vmem>> -> memref<32x768xf32, #tpu.memory_space<vmem>>
    %dma_wait3A_51 = arith.constant 0 : i32
    %dma_wait3A_52 = tpu.memref_slice %arg4[%add3A_45, %dma_wait3A_51] : memref<204800x768xf32, #tpu.memory_space<hbm>> -> memref<32x768xf32, #tpu.memory_space<hbm>>
    %dma_wait3A_53 = arith.constant 0 : i32
    %dma_wait3A_54 = tpu.memref_slice %arg4[%add3A_45, %dma_wait3A_53] : memref<204800x768xf32, #tpu.memory_space<hbm>> -> memref<32x768xf32, #tpu.memory_space<hbm>>
    %dma_wait3A_55 = arith.constant 0 : i32
    %dma_wait3A_56 = arith.constant 0 : i32
    %dma_wait3A_57 = tpu.memref_slice %arg6[%dma_wait3A_46, %dma_wait3A_55, %dma_wait3A_56] : memref<4x32x768xf32, #tpu.memory_space<vmem>> -> memref<1x32x768xf32, #tpu.memory_space<vmem>>
    %dma_wait3A_58 = tpu.memref_squeeze %dma_wait3A_57 : memref<1x32x768xf32, #tpu.memory_space<vmem>> -> memref<32x768xf32, #tpu.memory_space<vmem>>
    tpu.wait_dma2 semaphore(%arg14 : memref<!tpu.dma_semaphore, #tpu.memory_space<semaphore_mem>>) src(%dma_wait3A_58 : memref<32x768xf32, #tpu.memory_space<vmem>>) dst(%dma_wait3A_54 : memref<32x768xf32, #tpu.memory_space<hbm>>)
    return
  }
}

</mosaic_0001>

<sc_bundles>
// kernel: kernel.3.cloned.1.call-start
scs
__scs_entry_jumppad:
0x0: {  	(pc) =	sbr.rel $0x88, $3  }
0x1: {  	(tag) =	ssettag $0x0;
	lr =	simm.s32 $0x1  }
0x2: {  	[smem:$0x3F9F] =	sst lr;
	_ =	strace $0xD0000000  }
0x3: {  	_ = 	snop  }
0x4: {  	_ = 	snop  }
0x5: {  	_ = 	snop  }
0x6: {  	_ = 	snop  }
0x7: {  	_ = 	snop  }
__scs_overlays_trampoline_lowered:
0x8: {  	[smem:$0x3FAE] =	sst s0  }
0x9: {  	[smem:$0x3FAF] =	sst s1  }
0xa: {  	[smem:$0x3FB0] =	sst s2  }
0xb: {  	[smem:$0x3FB1] =	sst s3  }
0xc: {  	[smem:$0x3FB2] =	sst s4  }
0xd: {  	[smem:$0x3FB3] =	sst s5  }
0xe: {  	[smem:$0x3FB4] =	sst s6  }
0xf: {  	[smem:$0x3FB5] =	sst s7  }
0x10: {  	[smem:$0x3FB6] =	sst s8  }
0x11: {  	[smem:$0x3FB7] =	sst s9;
	s0 =	simm.s32 @!p0 $0x0  }
0x12: {  	s1 =	sld [smem:$0x3F9D];
	s0 =	simm.s32 @p0 $0x1  }
0x13: {  	[smem:$0x3FB8] =	sst s0;
	s0 =	simm.s32 @!p1 $0x0  }
0x14: {  	s2 =	sld [smem:$0x3F9C];
	s0 =	simm.s32 @p1 $0x1  }
0x15: {  	[smem:$0x3FB9] =	sst s0;
	s0 =	simm.s32 @!p2 $0x0  }
0x16: {  	s3 =	sld [smem:$0x3FDB];
	s0 =	simm.s32 @p2 $0x1  }
0x17: {  	s4 =	simm.s32 $0x1BF5;
	[smem:$0x3FBB] =	sst s0  }
0x18: {  	s0 =	sld [smem:$0x3F9E];
	_ =	swait.ge [sflag:s4], $0x0  }
0x19: {  	s7 =	sld [smem:$0x3F9F]  }
0x1a: {  	s8 =	sadd.s32 $0xFFFFE003, lr  }
0x1b: {  	s9 =	sadd.s32 $0xFFFFFEF7, lr;
	s5 =	simm.s32 $0xFFFFFFFF;
	p2 =	slt.u32 s8, $0xFFFFF086  }
0x1c: {  	p1 =	slt.u32 s9, $0xF7A;
	s5 =	simm.s32 @!p2 $0x0  }
0x1d: {  	s5 =	simm.s32 @p1 $0x1;
	p0 =	seq.s32 s7, s2  }
0x1e: {  	s7 =	smul.u32 @!p0 $0xF7A, s2;
	p2 =	seq.s32 @!p0 s5, $0x0  }
0x1f: {  	s9 =	smul.u32 $0xF7A, s1;
	s8 =	simm.s32 @!p0 $0x1BF5;
	p2 =	por !p2, p0  }
0x20: {  	[sflag:s8] =	ssyncset.s32 @!p0 $0xFFFFF086;
	s6 =	sadd.s32 @!p0 s3, s7;
	s7 =	simm.s32 @!p0 $0x108  }
0x21: {  	s3 =	sadd.s32 s3, s9;
	s6 =	sadd.s32 @!p0 $0x88, s6;
	s7 =	simm.s32 @p2 $0x1082  }
0x22: {  	[simem:s7], [sflag:s8] =	dma.local @!p0 [hbm:s6], $0xF7A  }
0x23: {  	s9 =	sor.u32 $0xD0000000, s2;
	s6 =	simm.s32 $0x108;
	_ =	swait.ge @!p0 [sflag:s8], $0x0  }
0x24: {  	s3 =	sadd.s32 $0x88, s3;
	s6 =	simm.s32 @!p1 $0x1082;
	[sflag:s4] =	ssyncset.s32 $0xFFFFF086  }
0x25: {  	[simem:s6], [sflag:s4] =	dma.local [hbm:s3], $0xF7A  }
0x26: {  	[smem:$0x3F9F] =	sst s1;
	(tag) =	ssettag s2;
	_ =	strace s9  }
0x27: {  	s1 =	sld [smem:$0x3FAF]  }
0x28: {  	s2 =	sld [smem:$0x3FB0]  }
0x29: {  	s4 =	sld [smem:$0x3FB2]  }
0x2a: {  	p0 =	seq.s32 s5, $0x0;
	s5 =	sld [smem:$0x3FB3]  }
0x2b: {  	s6 =	sld [smem:$0x3FB4]  }
0x2c: {  	s7 =	sld [smem:$0x3FB5]  }
0x2d: {  	s3 =	simm.s32 $0x108;
	s8 =	sld [smem:$0x3FB6]  }
0x2e: {  	s3 =	simm.s32 @!p0 $0x1082;
	s9 =	sld [smem:$0x3FB7]  }
0x2f: {  	lr =	sadd.s32 s0, s3;
	s0 =	sld [smem:$0x3FAE]  }
0x30: {  	s3 =	sld [smem:$0x3FB1]  }
0x31: {  	[smem:$0x3FBA] =	sst s10  }
0x32: {  	s10 =	sld [smem:$0x3FB8];
	_ =	sdelay $0x3  }
0x33: {  	p0 =	seq.s32 s10, $0x1;
	s10 =	sld [smem:$0x3FBA];
	_ =	sdelay $0x3  }
0x34: {  	[smem:$0x3FBA] =	sst s10  }
0x35: {  	s10 =	sld [smem:$0x3FB9];
	_ =	sdelay $0x3  }
0x36: {  	p1 =	seq.s32 s10, $0x1;
	s10 =	sld [smem:$0x3FBA];
	_ =	sdelay $0x3  }
0x37: {  	[smem:$0x3FBA] =	sst s10  }
0x38: {  	s10 =	sld [smem:$0x3FBB]  }
0x39: {  	_ = 	snop;
	(pc) =	sbr.ind lr, $3  }
0x3a: {  	_ = 	snop  }
0x3b: {  	_ = 	snop  }
0x3c: {  	p2 =	seq.s32 s10, $0x1;
	s10 =	sld [smem:$0x3FBA]  }
0x3d: {  	_ =	shalt  }
0x3e: {  	_ =	shalt  }
0x3f: {  	_ =	shalt  }
0x40: {  	_ =	shalt  }
0x41: {  	_ =	shalt  }
0x42: {  	_ =	shalt  }
0x43: {  	_ =	shalt  }
0x44: {  	_ =	shalt  }
0x45: {  	_ =	shalt  }
0x46: {  	_ =	shalt  }
0x47: {  	_ =	shalt  }
0x48: {  	_ =	shalt  }
0x49: {  	_ =	shalt  }
0x4a: {  	_ =	shalt  }
0x4b: {  	_ =	shalt  }
0x4c: {  	_ =	shalt  }
0x4d: {  	_ =	shalt  }
0x4e: {  	_ =	shalt  }
0x4f: {  	_ =	shalt  }
0x50: {  	_ =	shalt  }
0x51: {  	_ =	shalt  }
0x52: {  	_ =	shalt  }
0x53: {  	_ =	shalt  }
0x54: {  	_ =	shalt  }
0x55: {  	_ =	shalt  }
0x56: {  	_ =	shalt  }
0x57: {  	_ =	shalt  }
0x58: {  	_ =	shalt  }
0x59: {  	_ =	shalt  }
0x5a: {  	_ =	shalt  }
0x5b: {  	_ =	shalt  }
0x5c: {  	_ =	shalt  }
0x5d: {  	_ =	shalt  }
0x5e: {  	_ =	shalt  }
0x5f: {  	_ =	shalt  }
0x60: {  	_ =	shalt  }
0x61: {  	_ =	shalt  }
0x62: {  	_ =	shalt  }
0x63: {  	_ =	shalt  }
0x64: {  	_ =	shalt  }
0x65: {  	_ =	shalt  }
0x66: {  	_ =	shalt  }
0x67: {  	_ =	shalt  }
0x68: {  	_ =	shalt  }
0x69: {  	_ =	shalt  }
0x6a: {  	_ =	shalt  }
0x6b: {  	_ =	shalt  }
0x6c: {  	_ =	shalt  }
0x6d: {  	_ =	shalt  }
0x6e: {  	_ =	shalt  }
0x6f: {  	_ =	shalt  }
0x70: {  	_ =	shalt  }
0x71: {  	_ =	shalt  }
0x72: {  	_ =	shalt  }
0x73: {  	_ =	shalt  }
0x74: {  	_ =	shalt  }
0x75: {  	_ =	shalt  }
0x76: {  	_ =	shalt  }
0x77: {  	_ =	shalt  }
0x78: {  	_ =	shalt  }
0x79: {  	_ =	shalt  }
0x7a: {  	_ =	shalt  }
0x7b: {  	_ =	shalt  }
0x7c: {  	_ =	shalt  }
0x7d: {  	_ =	shalt  }
0x7e: {  	_ =	shalt  }
0x7f: {  	_ =	shalt  }
0x80: {  	_ =	shalt  }
0x81: {  	_ =	shalt  }
0x82: {  	_ =	shalt  }
0x83: {  	_ =	shalt  }
0x84: {  	_ =	shalt  }
0x85: {  	_ =	shalt  }
0x86: {  	_ =	shalt  }
0x87: {  	_ =	shalt  }
.Lfunc_end0:
.L_simem_size_0:
called_computation_lowered:
.L_overlay_start_0:
0x88: {  	s2 =	sld [smem:$0x3FD9]  }
0x89: {  	s3 =	sld [smem:$0x3FFE];
	_ =	sdelay $0x1  }
0x8a: {  	s1 =	srdreg.scid  }
0x8b: {  	s0 =	sand.u32 $0x1, s1  }
0x8c: {  	s17 =	sshll.u32 s0, $0xA;
	s2 =	sadd.s32 s3, s2  }
0x8d: {  	s2 =	sadd.s32 s2, s17  }
0x8e: {  	[smem:$0x3FC6] =	sst s2  }
0x8f: {  	_ = 	snop  }
0x90: {  	s2 =	sld [smem:$0x3FC8]  }
0x91: {  	s18 =	sld [smem:$0x3FD0];
	(tm) =	ssettm $0x1  }
0x92: {  	s4 =	sld [smem:$0x3FFB];
	_ =	sdelay $0x3  }
0x93: {  	_ =	strace s4  }
0x94: {  	s4 =	sld [smem:$0x3FFC];
	_ =	sdelay $0x3  }
0x95: {  	_ =	strace s4  }
0x96: {  	s4 =	sld [smem:$0x3FFD];
	_ =	sdelay $0x3  }
0x97: {  	_ =	strace s4  }
0x98: {  	_ =	strace $0x8FFFFFFF  }
0x99: {  	s19 =	sld [smem:$0x3FDB];
	_ =	sdelay $0x1  }
0x9a: {  	s5 =	simm.s32 $_scs_section_size  }
0x9b: {  	s6 =	simm.s32 $_size__tile_overlayer_lowered;
	s7 =	simm.s32 $_tile_overlayer_lowered  }
0x9c: {  	s22 =	simm.s32 $0x1BFF;
	s21 =	sshll.u32 s7, $0x1;
	s4 =	sadd.s32 s5, s19  }
0x9d: {  	s8 =	simm.s32 $0x0;
	s20 =	sshll.u32 s6, $0x1;
	s6 =	sadd.s32 s21, s4  }
0x9e: {  	[timem:s8], [sflag:s22] =	dma.local [hbm:s6], s20  }
0x9f: {  	_ =	swait.ge [sflag:s22], s20  }
0xa0: {  	s5 =	ssub.s32 $0x0, s20;
	[sflag:s22] =	ssyncset.done $0x0  }
0xa1: {  	[sflag:s22] =	ssyncadd.s32 s5;
	_ =	sdelay $0x1  }
0xa2: {  	s23 =	simm.s32 $0x1B8B  }
0xa3: {  	_ =	swait.ge [sflag:s23], $0x1  }
0xa4: {  	[sflag:s23] =	ssyncset.done $0x0  }
0xa5: {  	s25 =	simm.s32 $0x1B8E;
	s24 =	sld [smem:$0x3FFE];
	[sflag:s23] =	ssyncadd.s32 $0xFFFFFFFF  }
0xa6: {  	s26 =	simm.s32 $execute0_lowered;
	[smem:$0x3FD2] =	sst s25  }
0xa7: {  	s6 =	sshll.u32 s26, $0x1;
	_ =	strace $0x80000046;
	[dreg:$0x1] =	wrdreg $0xFFFFFFFF  }
0xa8: {  	s28 =	simm.s32 $_size_execute0_lowered;
	s4 =	sadd.s32 s4, s6;
	[dreg:$0x0] =	wrdreg $0x0  }
0xa9: {  	s6 =	sshll.u32 s28, $0x1;
	[dreg:$0x2] =	wrdreg s4  }
0xaa: {  	[dreg:$0x3] =	wrdreg s6  }
0xab: {  	[dreg:$0x4] =	wrdreg $0xC0  }
0xac: {  	_ =	task [dreg:s8], $0x5FFFF  }
0xad: {  	[dreg:$0x1] =	wrdreg $0xFFFFFFFF  }
0xae: {  	[dreg:$0x0] =	wrdreg $0x60  }
0xaf: {  	[dreg:$0x2] =	wrdreg s2  }
0xb0: {  	[dreg:$0x3] =	wrdreg s24  }
0xb1: {  	[dreg:$0x4] =	wrdreg s18  }
0xb2: {  	[dreg:$0x5] =	wrdreg $0x9  }
0xb3: {  	_ =	task.clear_ibuf [dreg:s8], $0x6FFFF;
	_ =	strace $0x90000046  }
0xb4: {  	s29 =	simm.s32 $0x9;
	_ =	strace $0x80000048  }
0xb5: {  	_ =	swait.ge [sflag:s29], $0x1  }
0xb6: {  	[sflag:s29] =	ssyncadd.s32 $0xFFFFFFFF  }
0xb7: {  	_ =	strace $0x90000048  }
0xb8: {  	_ =	sfence  }
0xb9: {  	s30 =	sld [smem:$0x0];
	_ =	sdelay $0x2  }
0xba: {  	s31 =	sshll.u32 s1, $0xD;
	s1 =	sshrl.u32 s1, $0x2  }
0xbb: {  	s3 =	sand.u32 $0x4000, s31;
	s1 =	sadd.s32 s1, s30  }
0xbc: {  	s0 =	sor.u32 s3, s0;
	s1 =	sshll.u32 s1, $0x11  }
0xbd: {  	s0 =	sor.u32 s1, s0  }
0xbe: {  	s0 =	sadd.s32 $0x8F2B, s0  }
0xbf: {  	[sflag:s0] =	ssyncadd.remote.s32 $0x1  }
0xc0: {  	_ =	sfence.sel $0xFFFF  }
0xc1: {  	[dreg:$0x0] =	wrdreg $0xFFFFFFFF;
	(pc) =	sbr.abs _section_cstart, $3  }
0xc2: {  	[dreg:$0x1] =	wrdreg $0xFFFFFFFF  }
0xc3: {  	_ =	task.clear_ibuf [dreg:s8], $0x2FFFF;
	_ =	strace $0x9FFFFFFF  }
0xc4: {  	(tm) =	ssettm $0x7FFFFFFF  }
0xc5: {  	_ =	shalt  }
tec
execute0_lowered:
.L_overlay_start_1:
0x0: {  	(tag) =	ssettag $0x1  }
0x1: {  	s1 =	rddreg [dreg:$0x0]  }
0x2: {  	s0 =	rddreg [dreg:$0x1]  }
0x3: {  	s2 =	rddreg [dreg:$0x2];
	s3 =	srdreg.scid  }
0x4: {  	s6 =	stileid.u32;
	s18 =	simm.s32 $0x1;
	s19 =	simm.s32 $0x12400  }
0x5: {  	s29 =	simm.s32 $0x2;
	s30 =	simm.s32 $0x18400;
	s14 =	simm.s32 $0x1A400  }
0x6: {  	s15 =	simm.s32 $0x1AC00;
	s16 =	simm.s32 $0x1B400;
	s17 =	simm.s32 $0x1BC00  }
0x7: {  	s20 =	simm.s32 $0x1C400;
	s12 =	simm.s32 $0x6;
	s28 =	simm.s32 $0x0  }
0x8: {  	s4 =	sand.u32 $0x1, s3;
	s5 =	sshll.u32 s6, $0x1;
	s6 =	smul.u32 $0x3200, s6  }
0x9: {  	s3 =	simm.s32 $0x0;
	s5 =	sor.u32 s4, s5;
	s7 =	smul.u32 $0x1900, s4  }
0xa: {  	[smem:$0x7FF] =	sst s3;
	s4 =	ssub.s32 $0x2, s4;
	s5 =	smul.u32 $0xC80, s5  }
0xb: {  	_ =	strace $0x80000047;
	s22 =	sshrl.u32 s4, $0x1;
	s6 =	sadd.s32 s7, s6  }
0xc: {  	s4 =	ssub.s32 s4, s22;
	s22 =	simm.s32 $0x1D400;
	s7 =	simm.s32 $0x4  }
0xd: {  	s0 =	sadd.s32 s5, s0;
	s21 =	sor.u32 $0x40, s6;
	s8 =	sor.u32 $0x20, s6  }
0xe: {  	s25 =	sshrl.u32 s6, $0x3;
	s6 =	sor.u32 $0x60, s6;
	s4 =	smax.u32 s4, $0x1  }
0xf: {  	s5 =	sshrl.u32 s21, $0x3;
	s24 =	sshrl.u32 s8, $0x3;
	s0 =	sadd.s32 $0x400, s0  }
0x10: {  	s26 =	smul.u32 $0x300, s25;
	s31 =	sshrl.u32 s6, $0x3;
	s6 =	sadd.s32 $0x200, s1  }
0x11: {  	[dreg:$0x5] =	wrdreg s4;
	s25 =	simm.s32 $0xC400;
	s23 =	smul.u32 $0x300, s5  }
.Ltmp0:
0x12: {  	s21 =	simm.s32 $0x1CC00;
	s4 =	simm.s32 $0x5;
	(pc) =	sbr.rel .LBB2_1-.Ltmp0, $4  }
0x13: {  	s9 =	smul.u32 $0x300, s24;
	[dreg:$0x4] =	wrdreg s0;
	s5 =	sadd.s32 $0x100, s1  }
0x14: {  	v2 =	vlaneseq.u32;
	s11 =	smul.u32 $0x300, s31;
	s0 =	simm.s32 $0x19400;
	s24 =	simm.s32 $0x3  }
0x15: {  	vm0 =	vmmov $0xffff;
	v1 =	vshrl.u32 v2, $0x3;
	s10 =	sadd.s32 s26, s2;
	s8 =	sadd.s32 s23, s2;
	s9 =	sadd.s32 s9, s2  }
0x16: {  	v0 =	vand.u32 $0x7, v2;
	v2 =	vor.u32 $0x8, v2;
	v1 =	vmul.u32 $0x8, v1;
	s11 =	sadd.s32 s11, s2;
	s2 =	simm.s32 $0x19C00;
	s23 =	simm.s32 $0x1DC00  }
.LBB2_4:
0x17: {  	s13 =	simm.s32 $0x7  }
0x18: {  	_ =	swait.ge [sflag:s13], $0x6000  }
0x19: {  	[sflag:s13] =	ssyncset.done $0x0  }
0x1a: {  	s26 =	simm.s32 $0x8;
	[sflag:s13] =	ssyncadd.s32 $0xFFFFA000  }
0x1b: {  	_ =	swait.ge [sflag:s26], $0x6000  }
0x1c: {  	s28 =	rddreg [dreg:$0x6]  }
0x1d: {  	s31 =	rddreg [dreg:$0x5];
	s28 =	sadd.s32 $0x1, s28  }
0x1e: {  	p0 =	sne.s32 s28, s31  }
.Ltmp1:
0x1f: {  	_ = 	snop;
	(pc) =	sbr.rel @!p0 .LBB2_5-.Ltmp1, $3  }
0x20: {  	_ =	sdelay $0x1  }
0x21: {  	[sflag:s26] =	ssyncset.done $0x0  }
0x22: {  	[sflag:s26] =	ssyncadd.s32 $0xFFFFA000  }
.LBB2_1:
0x23: {  	[dreg:$0x6] =	wrdreg s28  }
0x24: {  	s13 =	rddreg [dreg:$0x4];
	s26 =	simm.s32 $0x9  }
0x25: {  	[tilespmem:s3], [sflag:$0x9] =	stream.linear.gather [hbm4b:s13+s3], $0x6400, $0x38;
	[tilespmem:$0x1E400] =	vst v63  }
0x26: {  	_ =	swait.ge [sflag:s26], $0x6400  }
0x27: {  	[sflag:s26] =	ssyncset.done $0x0  }
0x28: {  	[sflag:s26] =	ssyncadd.s32 $0xFFFF9C00  }
0x29: {  	v3 =	vld [tilespmem:$0x0];
	_ =	sdelay $0x4  }
0x2a: {  	v4 =	vshrl.u32 v3, $0x3  }
0x2b: {  	v4 =	vmul.u32 $0x30, v4  }
0x2c: {  	v3 =	vand.u32 $0x7, v3  }
0x2d: {  	v3 =	vor.u32 v3, v4  }
0x2e: {  	v4 =	vperm.xlane v3, v0;
	_ =	sdelay $0x1  }
0x2f: {  	v4 =	vadd.s32 v1, v4;
	_ =	sdelay $0x3  }
0x30: {  	s28 =	simm.s32 $0x6400;
	v3 =	vperm.xlane v3, v2  }
0x31: {  	[tilespmem:s28], [sflag:$0x1] =	stream.indirect_vreg.gather [hbm4b:s1+s3], $0x80, v4, vm0, $0xb8;
	[tilespmem:$0x1E400] =	vst v63  }
0x32: {  	s31 =	simm.s32 $0x6C00;
	v3 =	vadd.s32 v1, v3  }
0x33: {  	[tilespmem:s31], [sflag:$0x1] =	stream.indirect_vreg.gather [hbm4b:s5+s3], $0x80, v4, vm0, $0xb8;
	[tilespmem:$0x1E400] =	vst v63  }
0x34: {  	s26 =	simm.s32 $0x7400  }
0x35: {  	[tilespmem:s26], [sflag:$0x1] =	stream.indirect_vreg.gather [hbm4b:s6+s3], $0x80, v4, vm0, $0xb8;
	[tilespmem:$0x1E400] =	vst v63  }
0x36: {  	s28 =	simm.s32 $0x7C00  }
0x37: {  	[tilespmem:s28], [sflag:$0x1] =	stream.indirect_vreg.gather [hbm4b:s1+s3], $0x80, v3, vm0, $0xb8;
	[tilespmem:$0x1E400] =	vst v63  }
0x38: {  	s31 =	simm.s32 $0x8400  }
0x39: {  	[tilespmem:s31], [sflag:$0x1] =	stream.indirect_vreg.gather [hbm4b:s5+s3], $0x80, v3, vm0, $0xb8;
	[tilespmem:$0x1E400] =	vst v63  }
0x3a: {  	s26 =	simm.s32 $0x8C00  }
0x3b: {  	[tilespmem:s26], [sflag:$0x1] =	stream.indirect_vreg.gather [hbm4b:s6+s3], $0x80, v3, vm0, $0xb8;
	[tilespmem:$0x1E400] =	vst v63  }
0x3c: {  	v3 =	vld [tilespmem:$0x10];
	_ =	sdelay $0x4  }
0x3d: {  	v61 =	vshrl.u32 v3, $0x3  }
0x3e: {  	v4 =	vmul.u32 $0x30, v61  }
0x3f: {  	v3 =	vand.u32 $0x7, v3  }
0x40: {  	v3 =	vor.u32 v3, v4  }
0x41: {  	v4 =	vperm.xlane v3, v0;
	_ =	sdelay $0x1  }
0x42: {  	v4 =	vadd.s32 v1, v4;
	_ =	sdelay $0x3  }
0x43: {  	s28 =	simm.s32 $0x9400;
	v3 =	vperm.xlane v3, v2  }
0x44: {  	[tilespmem:s28], [sflag:$0x1] =	stream.indirect_vreg.gather [hbm4b:s1+s3], $0x80, v4, vm0, $0xb8;
	[tilespmem:$0x1E400] =	vst v63  }
0x45: {  	s31 =	simm.s32 $0x9C00;
	v3 =	vadd.s32 v1, v3  }
0x46: {  	[tilespmem:s31], [sflag:$0x1] =	stream.indirect_vreg.gather [hbm4b:s5+s3], $0x80, v4, vm0, $0xb8;
	[tilespmem:$0x1E400] =	vst v63  }
0x47: {  	s26 =	simm.s32 $0xA400  }
0x48: {  	[tilespmem:s26], [sflag:$0x1] =	stream.indirect_vreg.gather [hbm4b:s6+s3], $0x80, v4, vm0, $0xb8;
	[tilespmem:$0x1E400] =	vst v63  }
0x49: {  	s28 =	simm.s32 $0xAC00  }
0x4a: {  	[tilespmem:s28], [sflag:$0x1] =	stream.indirect_vreg.gather [hbm4b:s1+s3], $0x80, v3, vm0, $0xb8;
	[tilespmem:$0x1E400] =	vst v63  }
0x4b: {  	s31 =	simm.s32 $0xB400  }
0x4c: {  	[tilespmem:s31], [sflag:$0x1] =	stream.indirect_vreg.gather [hbm4b:s5+s3], $0x80, v3, vm0, $0xb8;
	[tilespmem:$0x1E400] =	vst v63  }
0x4d: {  	s26 =	simm.s32 $0xBC00  }
0x4e: {  	[tilespmem:s26], [sflag:$0x1] =	stream.indirect_vreg.gather [hbm4b:s6+s3], $0x80, v3, vm0, $0xb8;
	[tilespmem:$0x1E400] =	vst v63  }
0x4f: {  	v3 =	vld [tilespmem:$0x80];
	_ =	sdelay $0x4  }
0x50: {  	v62 =	vshrl.u32 v3, $0x3  }
0x51: {  	v4 =	vmul.u32 $0x30, v62  }
0x52: {  	v3 =	vand.u32 $0x7, v3  }
0x53: {  	v3 =	vor.u32 v3, v4  }
0x54: {  	v4 =	vperm.xlane v3, v0;
	_ =	sdelay $0x1  }
0x55: {  	v4 =	vadd.s32 v1, v4;
	_ =	sdelay $0x3  }
0x56: {  	v3 =	vperm.xlane v3, v2  }
0x57: {  	[tilespmem:s25], [sflag:$0x2] =	stream.indirect_vreg.gather [hbm4b:s1+s3], $0x80, v4, vm0, $0xb8;
	[tilespmem:$0x1E400] =	vst v63  }
0x58: {  	s28 =	simm.s32 $0xCC00;
	v3 =	vadd.s32 v1, v3  }
0x59: {  	[tilespmem:s28], [sflag:$0x2] =	stream.indirect_vreg.gather [hbm4b:s5+s3], $0x80, v4, vm0, $0xb8;
	[tilespmem:$0x1E400] =	vst v63  }
0x5a: {  	s31 =	simm.s32 $0xD400  }
0x5b: {  	[tilespmem:s31], [sflag:$0x2] =	stream.indirect_vreg.gather [hbm4b:s6+s3], $0x80, v4, vm0, $0xb8;
	[tilespmem:$0x1E400] =	vst v63  }
0x5c: {  	s26 =	simm.s32 $0xDC00  }
0x5d: {  	[tilespmem:s26], [sflag:$0x2] =	stream.indirect_vreg.gather [hbm4b:s1+s3], $0x80, v3, vm0, $0xb8;
	[tilespmem:$0x1E400] =	vst v63  }
0x5e: {  	s28 =	simm.s32 $0xE400  }
0x5f: {  	[tilespmem:s28], [sflag:$0x2] =	stream.indirect_vreg.gather [hbm4b:s5+s3], $0x80, v3, vm0, $0xb8;
	[tilespmem:$0x1E400] =	vst v63  }
0x60: {  	s31 =	simm.s32 $0xEC00  }
0x61: {  	[tilespmem:s31], [sflag:$0x2] =	stream.indirect_vreg.gather [hbm4b:s6+s3], $0x80, v3, vm0, $0xb8;
	[tilespmem:$0x1E400] =	vst v63  }
0x62: {  	v3 =	vld [tilespmem:$0x90];
	_ =	sdelay $0x4  }
0x63: {  	v63 =	vshrl.u32 v3, $0x3  }
0x64: {  	v4 =	vmul.u32 $0x30, v63  }
0x65: {  	v3 =	vand.u32 $0x7, v3  }
0x66: {  	v3 =	vor.u32 v3, v4  }
0x67: {  	v4 =	vperm.xlane v3, v0;
	_ =	sdelay $0x1  }
0x68: {  	v4 =	vadd.s32 v1, v4;
	_ =	sdelay $0x3  }
0x69: {  	s26 =	simm.s32 $0xF400;
	v3 =	vperm.xlane v3, v2  }
0x6a: {  	[tilespmem:s26], [sflag:$0x2] =	stream.indirect_vreg.gather [hbm4b:s1+s3], $0x80, v4, vm0, $0xb8;
	[tilespmem:$0x1E400] =	vst v63  }
0x6b: {  	s28 =	simm.s32 $0xFC00;
	v3 =	vadd.s32 v1, v3  }
0x6c: {  	[tilespmem:s28], [sflag:$0x2] =	stream.indirect_vreg.gather [hbm4b:s5+s3], $0x80, v4, vm0, $0xb8;
	[tilespmem:$0x1E400] =	vst v63  }
0x6d: {  	s31 =	simm.s32 $0x10400  }
0x6e: {  	[tilespmem:s31], [sflag:$0x2] =	stream.indirect_vreg.gather [hbm4b:s6+s3], $0x80, v4, vm0, $0xb8;
	[tilespmem:$0x1E400] =	vst v63  }
0x6f: {  	s26 =	simm.s32 $0x10C00  }
0x70: {  	[tilespmem:s26], [sflag:$0x2] =	stream.indirect_vreg.gather [hbm4b:s1+s3], $0x80, v3, vm0, $0xb8;
	[tilespmem:$0x1E400] =	vst v63  }
0x71: {  	s28 =	simm.s32 $0x11400  }
0x72: {  	[tilespmem:s28], [sflag:$0x2] =	stream.indirect_vreg.gather [hbm4b:s5+s3], $0x80, v3, vm0, $0xb8;
	[tilespmem:$0x1E400] =	vst v63  }
0x73: {  	s13 =	simm.s32 $0x180;
	s31 =	simm.s32 $0x11C00;
	s26 =	simm.s32 $0x0  }
0x74: {  	[tilespmem:s31], [sflag:$0x2] =	stream.indirect_vreg.gather [hbm4b:s6+s3], $0x80, v3, vm0, $0xb8;
	[tilespmem:$0x1E400] =	vst v63  }
.LBB2_2:
0x75: {  	_ =	swait.ge [sflag:s18], $0x6000  }
0x76: {  	s28 =	sadd.s32 s26, s10;
	[sflag:s18] =	ssyncset.done $0x0  }
0x77: {  	s31 =	simm.s32 $0x6400;
	p0 =	seq.s32 s26, $0x0;
	[sflag:s18] =	ssyncadd.s32 $0xFFFFA000  }
0x78: {  	[hbm4b:s28+s3] =	stream.linear.scatter [tilespmem:s31], [sflag:$0x5], $0x6000, $0x38;
	[tilespmem:$0x1E400] =	vst v63  }
0x79: {  	s28 =	simm.s32 @!p0 $0x7  }
0x7a: {  	_ =	swait.ge @!p0 [sflag:s28], $0x6000  }
0x7b: {  	[sflag:s28] =	ssyncset.done @!p0 $0x0  }
0x7c: {  	[sflag:s28] =	ssyncadd.s32 @!p0 $0xFFFFA000  }
0x7d: {  	v3 =	vld [tilespmem:s13+$0xFFFFFF80];
	_ =	sdelay $0x4  }
0x7e: {  	v4 =	vshrl.u32 v3, $0x3  }
0x7f: {  	v4 =	vmul.u32 $0x30, v4  }
0x80: {  	v3 =	vand.u32 $0x7, v3  }
0x81: {  	v3 =	vor.u32 v3, v4  }
0x82: {  	v4 =	vperm.xlane v3, v0;
	_ =	sdelay $0x1  }
0x83: {  	v4 =	vadd.s32 v1, v4;
	_ =	sdelay $0x3  }
0x84: {  	v3 =	vperm.xlane v3, v2  }
0x85: {  	[tilespmem:s19], [sflag:$0x3] =	stream.indirect_vreg.gather [hbm4b:s1+s3], $0x80, v4, vm0, $0xb8;
	[tilespmem:$0x1E400] =	vst v63  }
0x86: {  	s31 =	simm.s32 $0x12C00;
	v3 =	vadd.s32 v1, v3  }
0x87: {  	[tilespmem:s31], [sflag:$0x3] =	stream.indirect_vreg.gather [hbm4b:s5+s3], $0x80, v4, vm0, $0xb8;
	[tilespmem:$0x1E400] =	vst v63  }
0x88: {  	s31 =	simm.s32 $0x13400  }
0x89: {  	[tilespmem:s31], [sflag:$0x3] =	stream.indirect_vreg.gather [hbm4b:s6+s3], $0x80, v4, vm0, $0xb8;
	[tilespmem:$0x1E400] =	vst v63  }
0x8a: {  	s31 =	simm.s32 $0x13C00  }
0x8b: {  	[tilespmem:s31], [sflag:$0x3] =	stream.indirect_vreg.gather [hbm4b:s1+s3], $0x80, v3, vm0, $0xb8;
	[tilespmem:$0x1E400] =	vst v63  }
0x8c: {  	s31 =	simm.s32 $0x14400  }
0x8d: {  	[tilespmem:s31], [sflag:$0x3] =	stream.indirect_vreg.gather [hbm4b:s5+s3], $0x80, v3, vm0, $0xb8;
	[tilespmem:$0x1E400] =	vst v63  }
0x8e: {  	s31 =	simm.s32 $0x14C00  }
0x8f: {  	[tilespmem:s31], [sflag:$0x3] =	stream.indirect_vreg.gather [hbm4b:s6+s3], $0x80, v3, vm0, $0xb8;
	[tilespmem:$0x1E400] =	vst v63  }
0x90: {  	v3 =	vld [tilespmem:s13+$0xFFFFFF90];
	_ =	sdelay $0x4  }
0x91: {  	v61 =	vshrl.u32 v3, $0x3  }
0x92: {  	v4 =	vmul.u32 $0x30, v61  }
0x93: {  	v3 =	vand.u32 $0x7, v3  }
0x94: {  	v3 =	vor.u32 v3, v4  }
0x95: {  	v4 =	vperm.xlane v3, v0;
	_ =	sdelay $0x1  }
0x96: {  	v4 =	vadd.s32 v1, v4;
	_ =	sdelay $0x3  }
0x97: {  	s31 =	simm.s32 $0x15400;
	v3 =	vperm.xlane v3, v2  }
0x98: {  	[tilespmem:s31], [sflag:$0x3] =	stream.indirect_vreg.gather [hbm4b:s1+s3], $0x80, v4, vm0, $0xb8;
	[tilespmem:$0x1E400] =	vst v63  }
0x99: {  	v3 =	vadd.s32 v1, v3;
	s31 =	simm.s32 $0x15C00  }
0x9a: {  	[tilespmem:s31], [sflag:$0x3] =	stream.indirect_vreg.gather [hbm4b:s5+s3], $0x80, v4, vm0, $0xb8;
	[tilespmem:$0x1E400] =	vst v63  }
0x9b: {  	s31 =	simm.s32 $0x16400  }
0x9c: {  	[tilespmem:s31], [sflag:$0x3] =	stream.indirect_vreg.gather [hbm4b:s6+s3], $0x80, v4, vm0, $0xb8;
	[tilespmem:$0x1E400] =	vst v63  }
0x9d: {  	s31 =	simm.s32 $0x16C00  }
0x9e: {  	[tilespmem:s31], [sflag:$0x3] =	stream.indirect_vreg.gather [hbm4b:s1+s3], $0x80, v3, vm0, $0xb8;
	[tilespmem:$0x1E400] =	vst v63  }
0x9f: {  	s31 =	simm.s32 $0x17400  }
0xa0: {  	[tilespmem:s31], [sflag:$0x3] =	stream.indirect_vreg.gather [hbm4b:s5+s3], $0x80, v3, vm0, $0xb8;
	[tilespmem:$0x1E400] =	vst v63  }
0xa1: {  	s31 =	simm.s32 $0x17C00  }
0xa2: {  	[tilespmem:s31], [sflag:$0x3] =	stream.indirect_vreg.gather [hbm4b:s6+s3], $0x80, v3, vm0, $0xb8;
	[tilespmem:$0x1E400] =	vst v63  }
0xa3: {  	_ =	swait.ge [sflag:s29], $0x6000  }
0xa4: {  	[sflag:s29] =	ssyncset.done $0x0  }
0xa5: {  	s28 =	simm.s32 @!p0 $0x8;
	s31 =	sadd.s32 s26, s9;
	[sflag:s29] =	ssyncadd.s32 $0xFFFFA000  }
0xa6: {  	[hbm4b:s31+s3] =	stream.linear.scatter [tilespmem:s25], [sflag:$0x6], $0x6000, $0x38;
	[tilespmem:$0x1E400] =	vst v63  }
0xa7: {  	_ =	swait.ge @!p0 [sflag:s28], $0x6000  }
0xa8: {  	[sflag:s28] =	ssyncset.done @!p0 $0x0  }
0xa9: {  	[sflag:s28] =	ssyncadd.s32 @!p0 $0xFFFFA000  }
0xaa: {  	v3 =	vld [tilespmem:s13+$0x0];
	_ =	sdelay $0x4  }
0xab: {  	v62 =	vshrl.u32 v3, $0x3  }
0xac: {  	v4 =	vmul.u32 $0x30, v62  }
0xad: {  	v3 =	vand.u32 $0x7, v3  }
0xae: {  	v3 =	vor.u32 v3, v4  }
0xaf: {  	v4 =	vperm.xlane v3, v0;
	_ =	sdelay $0x1  }
0xb0: {  	v4 =	vadd.s32 v1, v4;
	_ =	sdelay $0x3  }
0xb1: {  	v3 =	vperm.xlane v3, v2  }
0xb2: {  	[tilespmem:s30], [sflag:$0x4] =	stream.indirect_vreg.gather [hbm4b:s1+s3], $0x80, v4, vm0, $0xb8;
	[tilespmem:$0x1E400] =	vst v63  }
0xb3: {  	s31 =	simm.s32 $0x18C00;
	v3 =	vadd.s32 v1, v3  }
0xb4: {  	[tilespmem:s31], [sflag:$0x4] =	stream.indirect_vreg.gather [hbm4b:s5+s3], $0x80, v4, vm0, $0xb8;
	[tilespmem:$0x1E400] =	vst v63  }
0xb5: {  	_ = 	snop  }
0xb6: {  	[tilespmem:s0], [sflag:$0x4] =	stream.indirect_vreg.gather [hbm4b:s6+s3], $0x80, v4, vm0, $0xb8;
	[tilespmem:$0x1E400] =	vst v63  }
0xb7: {  	_ = 	snop  }
0xb8: {  	[tilespmem:s2], [sflag:$0x4] =	stream.indirect_vreg.gather [hbm4b:s1+s3], $0x80, v3, vm0, $0xb8;
	[tilespmem:$0x1E400] =	vst v63  }
0xb9: {  	_ = 	snop  }
0xba: {  	[tilespmem:s14], [sflag:$0x4] =	stream.indirect_vreg.gather [hbm4b:s5+s3], $0x80, v3, vm0, $0xb8;
	[tilespmem:$0x1E400] =	vst v63  }
0xbb: {  	_ = 	snop  }
0xbc: {  	[tilespmem:s15], [sflag:$0x4] =	stream.indirect_vreg.gather [hbm4b:s6+s3], $0x80, v3, vm0, $0xb8;
	[tilespmem:$0x1E400] =	vst v63  }
0xbd: {  	v3 =	vld [tilespmem:s13+$0x10];
	_ =	sdelay $0x4  }
0xbe: {  	v63 =	vshrl.u32 v3, $0x3  }
0xbf: {  	v4 =	vmul.u32 $0x30, v63  }
0xc0: {  	v3 =	vand.u32 $0x7, v3  }
0xc1: {  	v3 =	vor.u32 v3, v4  }
0xc2: {  	v4 =	vperm.xlane v3, v0;
	_ =	sdelay $0x1  }
0xc3: {  	v4 =	vadd.s32 v1, v4;
	_ =	sdelay $0x3  }
0xc4: {  	v3 =	vperm.xlane v3, v2  }
0xc5: {  	[tilespmem:s16], [sflag:$0x4] =	stream.indirect_vreg.gather [hbm4b:s1+s3], $0x80, v4, vm0, $0xb8;
	[tilespmem:$0x1E400] =	vst v63  }
0xc6: {  	v3 =	vadd.s32 v1, v3  }
0xc7: {  	[tilespmem:s17], [sflag:$0x4] =	stream.indirect_vreg.gather [hbm4b:s5+s3], $0x80, v4, vm0, $0xb8;
	[tilespmem:$0x1E400] =	vst v63  }
0xc8: {  	_ = 	snop  }
0xc9: {  	[tilespmem:s20], [sflag:$0x4] =	stream.indirect_vreg.gather [hbm4b:s6+s3], $0x80, v4, vm0, $0xb8;
	[tilespmem:$0x1E400] =	vst v63  }
0xca: {  	_ = 	snop  }
0xcb: {  	[tilespmem:s21], [sflag:$0x4] =	stream.indirect_vreg.gather [hbm4b:s1+s3], $0x80, v3, vm0, $0xb8;
	[tilespmem:$0x1E400] =	vst v63  }
0xcc: {  	_ = 	snop  }
0xcd: {  	[tilespmem:s22], [sflag:$0x4] =	stream.indirect_vreg.gather [hbm4b:s5+s3], $0x80, v3, vm0, $0xb8;
	[tilespmem:$0x1E400] =	vst v63  }
0xce: {  	_ = 	snop  }
0xcf: {  	[tilespmem:s23], [sflag:$0x4] =	stream.indirect_vreg.gather [hbm4b:s6+s3], $0x80, v3, vm0, $0xb8;
	[tilespmem:$0x1E400] =	vst v63  }
0xd0: {  	_ =	swait.ge [sflag:s24], $0x6000  }
0xd1: {  	[sflag:s24] =	ssyncset.done $0x0  }
0xd2: {  	s31 =	sadd.s32 s26, s8;
	[sflag:s24] =	ssyncadd.s32 $0xFFFFA000  }
0xd3: {  	[hbm4b:s31+s3] =	stream.linear.scatter [tilespmem:s19], [sflag:$0x7], $0x6000, $0x38;
	[tilespmem:$0x1E400] =	vst v63  }
0xd4: {  	_ =	swait.ge [sflag:s4], $0x6000  }
0xd5: {  	[sflag:s4] =	ssyncset.done $0x0  }
0xd6: {  	p0 =	seq.s32 s26, $0x93000;
	[sflag:s4] =	ssyncadd.s32 $0xFFFFA000  }
0xd7: {  	v3 =	vld @!p0 [tilespmem:s13+$0x80];
	_ =	sdelay $0x4  }
0xd8: {  	v4 =	vshrl.u32 @!p0 v3, $0x3  }
0xd9: {  	v4 =	vmul.u32 @!p0 $0x30, v4  }
0xda: {  	v5 =	vlaneseq.u32 @!p0;
	v3 =	vand.u32 @!p0 $0x7, v3  }
0xdb: {  	v6 =	vshrl.u32 @!p0 v5, $0x3;
	v3 =	vor.u32 @!p0 v3, v4;
	v4 =	vand.u32 @!p0 $0x7, v5  }
0xdc: {  	v6 =	vmul.u32 @!p0 $0x8, v6;
	v7 =	vperm.xlane @!p0 v3, v4;
	_ =	sdelay $0x1  }
0xdd: {  	v7 =	vadd.s32 @!p0 v6, v7;
	_ =	sdelay $0x2  }
0xde: {  	v5 =	vor.u32 @!p0 $0x8, v5  }
0xdf: {  	vm1 =	vmmov @!p0 $0xffff;
	s28 =	simm.s32 @!p0 $0x0;
	s31 =	simm.s32 @!p0 $0x6400;
	v3 =	vperm.xlane @!p0 v3, v5  }
0xe0: {  	[tilespmem:s31], [sflag:$0x1] =	stream.indirect_vreg.gather @!p0 [hbm4b:s1+s28], $0x80, v7, vm1, $0xb8;
	[tilespmem:$0x1E400] =	vst v63  }
0xe1: {  	v3 =	vadd.s32 @!p0 v6, v3;
	s31 =	simm.s32 @!p0 $0x6C00  }
0xe2: {  	[tilespmem:s31], [sflag:$0x1] =	stream.indirect_vreg.gather @!p0 [hbm4b:s5+s28], $0x80, v7, vm1, $0xb8;
	[tilespmem:$0x1E400] =	vst v63  }
0xe3: {  	s31 =	simm.s32 @!p0 $0x7400  }
0xe4: {  	[tilespmem:s31], [sflag:$0x1] =	stream.indirect_vreg.gather @!p0 [hbm4b:s6+s28], $0x80, v7, vm1, $0xb8;
	[tilespmem:$0x1E400] =	vst v63  }
0xe5: {  	s31 =	simm.s32 @!p0 $0x7C00  }
0xe6: {  	[tilespmem:s31], [sflag:$0x1] =	stream.indirect_vreg.gather @!p0 [hbm4b:s1+s28], $0x80, v3, vm1, $0xb8;
	[tilespmem:$0x1E400] =	vst v63  }
0xe7: {  	s31 =	simm.s32 @!p0 $0x8400  }
0xe8: {  	[tilespmem:s31], [sflag:$0x1] =	stream.indirect_vreg.gather @!p0 [hbm4b:s5+s28], $0x80, v3, vm1, $0xb8;
	[tilespmem:$0x1E400] =	vst v63  }
0xe9: {  	s31 =	simm.s32 @!p0 $0x8C00  }
0xea: {  	[tilespmem:s31], [sflag:$0x1] =	stream.indirect_vreg.gather @!p0 [hbm4b:s6+s28], $0x80, v3, vm1, $0xb8;
	[tilespmem:$0x1E400] =	vst v63  }
0xeb: {  	v3 =	vld @!p0 [tilespmem:s13+$0x90];
	_ =	sdelay $0x4  }
0xec: {  	v7 =	vshrl.u32 @!p0 v3, $0x3  }
0xed: {  	v7 =	vmul.u32 @!p0 $0x30, v7  }
0xee: {  	v3 =	vand.u32 @!p0 $0x7, v3  }
0xef: {  	v3 =	vor.u32 @!p0 v3, v7  }
0xf0: {  	v4 =	vperm.xlane @!p0 v3, v4;
	_ =	sdelay $0x1  }
0xf1: {  	v4 =	vadd.s32 @!p0 v6, v4;
	_ =	sdelay $0x3  }
0xf2: {  	s31 =	simm.s32 @!p0 $0x9400;
	v3 =	vperm.xlane @!p0 v3, v5  }
0xf3: {  	[tilespmem:s31], [sflag:$0x1] =	stream.indirect_vreg.gather @!p0 [hbm4b:s1+s28], $0x80, v4, vm1, $0xb8;
	[tilespmem:$0x1E400] =	vst v63  }
0xf4: {  	v3 =	vadd.s32 @!p0 v6, v3;
	s31 =	simm.s32 @!p0 $0x9C00  }
0xf5: {  	[tilespmem:s31], [sflag:$0x1] =	stream.indirect_vreg.gather @!p0 [hbm4b:s5+s28], $0x80, v4, vm1, $0xb8;
	[tilespmem:$0x1E400] =	vst v63  }
0xf6: {  	s31 =	simm.s32 @!p0 $0xA400  }
0xf7: {  	[tilespmem:s31], [sflag:$0x1] =	stream.indirect_vreg.gather @!p0 [hbm4b:s6+s28], $0x80, v4, vm1, $0xb8;
	[tilespmem:$0x1E400] =	vst v63  }
0xf8: {  	s31 =	simm.s32 @!p0 $0xAC00  }
0xf9: {  	[tilespmem:s31], [sflag:$0x1] =	stream.indirect_vreg.gather @!p0 [hbm4b:s1+s28], $0x80, v3, vm1, $0xb8;
	[tilespmem:$0x1E400] =	vst v63  }
0xfa: {  	s31 =	simm.s32 @!p0 $0xB400  }
0xfb: {  	[tilespmem:s31], [sflag:$0x1] =	stream.indirect_vreg.gather @!p0 [hbm4b:s5+s28], $0x80, v3, vm1, $0xb8;
	[tilespmem:$0x1E400] =	vst v63  }
0xfc: {  	s31 =	simm.s32 @!p0 $0xBC00  }
0xfd: {  	[tilespmem:s31], [sflag:$0x1] =	stream.indirect_vreg.gather @!p0 [hbm4b:s6+s28], $0x80, v3, vm1, $0xb8;
	[tilespmem:$0x1E400] =	vst v63  }
0xfe: {  	_ =	swait.ge [sflag:s7], $0x6000  }
0xff: {  	[sflag:s7] =	ssyncset.done $0x0  }
.Ltmp2:
0x100: {  	s31 =	sadd.s32 s26, s11;
	[sflag:s7] =	ssyncadd.s32 $0xFFFFA000;
	(pc) =	sbr.rel @p0 .LBB2_4-.Ltmp2, $4  }
0x101: {  	[hbm4b:s31+s3] =	stream.linear.scatter [tilespmem:s30], [sflag:$0x8], $0x6000, $0x38;
	[tilespmem:$0x1E400] =	vst v63  }
0x102: {  	_ =	swait.ge [sflag:s12], $0x6000  }
0x103: {  	[sflag:s12] =	ssyncset.done $0x0  }
0x104: {  	[sflag:s12] =	ssyncadd.s32 $0xFFFFA000  }
0x105: {  	v3 =	vld [tilespmem:s13+$0x100];
	_ =	sdelay $0x4  }
0x106: {  	v4 =	vshrl.u32 v3, $0x3  }
0x107: {  	v4 =	vmul.u32 $0x30, v4  }
0x108: {  	v3 =	vand.u32 $0x7, v3  }
0x109: {  	v3 =	vor.u32 v3, v4  }
0x10a: {  	v4 =	vperm.xlane v3, v0;
	_ =	sdelay $0x1  }
0x10b: {  	v4 =	vadd.s32 v1, v4;
	_ =	sdelay $0x3  }
0x10c: {  	v3 =	vperm.xlane v3, v2  }
0x10d: {  	[tilespmem:s25], [sflag:$0x2] =	stream.indirect_vreg.gather [hbm4b:s1+s3], $0x80, v4, vm0, $0xb8;
	[tilespmem:$0x1E400] =	vst v63  }
0x10e: {  	s28 =	simm.s32 $0xCC00;
	v3 =	vadd.s32 v1, v3  }
0x10f: {  	[tilespmem:s28], [sflag:$0x2] =	stream.indirect_vreg.gather [hbm4b:s5+s3], $0x80, v4, vm0, $0xb8;
	[tilespmem:$0x1E400] =	vst v63  }
0x110: {  	s31 =	simm.s32 $0xD400  }
0x111: {  	[tilespmem:s31], [sflag:$0x2] =	stream.indirect_vreg.gather [hbm4b:s6+s3], $0x80, v4, vm0, $0xb8;
	[tilespmem:$0x1E400] =	vst v63  }
0x112: {  	s31 =	simm.s32 $0xDC00  }
0x113: {  	[tilespmem:s31], [sflag:$0x2] =	stream.indirect_vreg.gather [hbm4b:s1+s3], $0x80, v3, vm0, $0xb8;
	[tilespmem:$0x1E400] =	vst v63  }
0x114: {  	s31 =	simm.s32 $0xE400  }
0x115: {  	[tilespmem:s31], [sflag:$0x2] =	stream.indirect_vreg.gather [hbm4b:s5+s3], $0x80, v3, vm0, $0xb8;
	[tilespmem:$0x1E400] =	vst v63  }
0x116: {  	s31 =	simm.s32 $0xEC00  }
0x117: {  	[tilespmem:s31], [sflag:$0x2] =	stream.indirect_vreg.gather [hbm4b:s6+s3], $0x80, v3, vm0, $0xb8;
	[tilespmem:$0x1E400] =	vst v63  }
0x118: {  	v3 =	vld [tilespmem:s13+$0x110];
	_ =	sdelay $0x4  }
0x119: {  	v63 =	vshrl.u32 v3, $0x3  }
0x11a: {  	v4 =	vmul.u32 $0x30, v63  }
0x11b: {  	v3 =	vand.u32 $0x7, v3  }
0x11c: {  	v3 =	vor.u32 v3, v4  }
0x11d: {  	v4 =	vperm.xlane v3, v0;
	_ =	sdelay $0x1  }
0x11e: {  	v4 =	vadd.s32 v1, v4;
	_ =	sdelay $0x3  }
0x11f: {  	s31 =	simm.s32 $0xF400;
	v3 =	vperm.xlane v3, v2  }
0x120: {  	[tilespmem:s31], [sflag:$0x2] =	stream.indirect_vreg.gather [hbm4b:s1+s3], $0x80, v4, vm0, $0xb8;
	[tilespmem:$0x1E400] =	vst v63  }
0x121: {  	v3 =	vadd.s32 v1, v3;
	s31 =	simm.s32 $0xFC00  }
0x122: {  	[tilespmem:s31], [sflag:$0x2] =	stream.indirect_vreg.gather [hbm4b:s5+s3], $0x80, v4, vm0, $0xb8;
	[tilespmem:$0x1E400] =	vst v63  }
0x123: {  	s31 =	simm.s32 $0x10400  }
0x124: {  	[tilespmem:s31], [sflag:$0x2] =	stream.indirect_vreg.gather [hbm4b:s6+s3], $0x80, v4, vm0, $0xb8;
	[tilespmem:$0x1E400] =	vst v63  }
0x125: {  	s31 =	simm.s32 $0x10C00  }
0x126: {  	[tilespmem:s31], [sflag:$0x2] =	stream.indirect_vreg.gather [hbm4b:s1+s3], $0x80, v3, vm0, $0xb8;
	[tilespmem:$0x1E400] =	vst v63  }
.Ltmp3:
0x127: {  	_ = 	snop;
	(pc) =	sbr.rel .LBB2_2-.Ltmp3, $4  }
0x128: {  	s31 =	simm.s32 $0x11400  }
0x129: {  	[tilespmem:s31], [sflag:$0x2] =	stream.indirect_vreg.gather [hbm4b:s5+s3], $0x80, v3, vm0, $0xb8;
	[tilespmem:$0x1E400] =	vst v63  }
0x12a: {  	s26 =	sadd.s32 $0x3000, s26;
	s13 =	sadd.s32 $0x200, s13;
	s31 =	simm.s32 $0x11C00  }
0x12b: {  	[tilespmem:s31], [sflag:$0x2] =	stream.indirect_vreg.gather [hbm4b:s6+s3], $0x80, v3, vm0, $0xb8;
	[tilespmem:$0x1E400] =	vst v63  }
.LBB2_5:
0x12c: {  	_ =	sfence.sel $0x180000  }
0x12d: {  	[bflag:$0x0] =	sbarrier.arrive $0xFFFF  }
0x12e: {  	_ =	strace $0x90000047  }
0x12f: {  	s0 =	stileid.u32;
	[bflag:$0x2] =	sbarrier.arrive $0xFFFF  }
0x130: {  	p0 =	sne.s32 s0, $0x0;
	s0 =	rddreg [dreg:$0x3]  }
0x131: {  	s0 =	sadd.s32 @!p0 $0x100000, s0  }
0x132: {  	[sflag:s0] =	ssyncadd.tile.s32 @!p0 $0x1;
	_ =	shalt  }
.Lfunc_end2:
_tile_overlayer_lowered:
.L_overlay_start_2:
0x133: {  	(tag) =	ssettag $0x2  }
0x134: {  	s0 =	rddreg [dreg:$0x0];
	s2 =	stileid.u32  }
0x135: {  	s1 =	rddreg [dreg:$0x1];
	p0 =	sne.s32 s2, $0x0  }
0x136: {  	s3 =	rddreg [dreg:$0x2];
	[bflag:$0x3] =	sbarrier.arrive $0xFFFF;
	s2 =	simm.s32 @!p0 $0x1C09  }
0x137: {  	[timem:s3], [sflag:s2] =	dma.local @!p0 [hbm:s0], s1  }
0x138: {  	s0 =	simm.s32 @!p0 $0x9  }
0x139: {  	_ =	swait.ge @!p0 [sflag:s0], s1  }
0x13a: {  	s1 =	ssub.s32 @!p0 $0x0, s1;
	[sflag:s0] =	ssyncset.done @!p0 $0x0  }
0x13b: {  	[sflag:s0] =	ssyncadd.s32 @!p0 s1  }
0x13c: {  	[bflag:$0x3] =	sbarrier.arrive $0xFFFF  }
0x13d: {  	_ =	shalt  }

</sc_bundles>
